<compile_context>
chip_gen: v7x
topology: tpu7x:2x2x1
jax: 0.10.2.dev20260603
libtpu: 0.0.44.dev20260713+nightly
codegen_flags: <defaults>
</compile_context>

<pallas_src>
import functools

import jax
import jax.numpy as jnp
from jax import lax
from jax.experimental import pallas as pl
from jax.experimental.pallas import tpu as pltpu
from jax.experimental.pallas import tpu_sc as plsc

CW = 128
L = 16
NSUB = 16
NCORE = 2
B = 64
G = 40
ZB = 8


def _round_up(a, m):
    return (a + m - 1) // m * m


def _mesh():
    return plsc.VectorSubcoreMesh(core_axis_name="c", subcore_axis_name="s",
                                  num_cores=NCORE, num_subcores=NSUB)


@functools.lru_cache(maxsize=None)
def _sc_segsum(nc, npad, nblk, ntab):
    per_core = max(nc // NCORE, 1)
    rpw = npad // NSUB

    def body(table, srcb, dstb, zconst, out,
             src_v, dst_v, rows0, rows1, zero_v, acc_sh, sem):
        c = lax.axis_index("c")
        s = lax.axis_index("s")
        pltpu.sync_copy(zconst, zero_v)

        for k in range(per_core):
            chunk = c * per_core + k

            def zloop(i, carry):
                pltpu.sync_copy(
                    zero_v, acc_sh.at[pl.ds(s * rpw + i * ZB, ZB)])
                return carry

            lax.fori_loop(0, rpw // ZB, zloop, 0)
            plsc.subcore_barrier()

            def grp(g, carry, chunk=chunk):
                pltpu.sync_copy(
                    srcb.at[chunk, s, pl.ds(g * G, G)], src_v)
                pltpu.sync_copy(dstb.at[s, pl.ds(g * G, G)], dst_v)
                pltpu.async_copy(table.at[src_v.at[0]], rows0, sem)

                def blk2(j, carry2):
                    j0 = 2 * j
                    j2 = jnp.minimum(j0 + 2, G - 1)
                    pltpu.make_async_copy(
                        table.at[src_v.at[j0]], rows0, sem).wait()
                    pltpu.async_copy(
                        table.at[src_v.at[j0 + 1]], rows1, sem)
                    pltpu.sync_copy(
                        rows0, acc_sh.at[dst_v.at[j0]], add=True)
                    pltpu.make_async_copy(
                        table.at[src_v.at[j0 + 1]], rows1, sem).wait()
                    pltpu.async_copy(table.at[src_v.at[j2]], rows0, sem)
                    pltpu.sync_copy(
                        rows1, acc_sh.at[dst_v.at[j0 + 1]], add=True)
                    return carry2

                r = lax.fori_loop(0, G // 2, blk2, carry)
                pltpu.make_async_copy(
                    table.at[src_v.at[0]], rows0, sem).wait()
                return r

            lax.fori_loop(0, nblk // G, grp, 0)
            plsc.subcore_barrier()

            pltpu.sync_copy(acc_sh.at[pl.ds(s * rpw, rpw)],
                            out.at[chunk, pl.ds(s * rpw, rpw)])
            plsc.subcore_barrier()

    return pl.kernel(
        body, mesh=_mesh(),
        out_type=jax.ShapeDtypeStruct((nc, npad, CW), jnp.float32),
        scratch_types=[
            pltpu.VMEM((G, B), jnp.int32),
            pltpu.VMEM((G, B), jnp.int32),
            pltpu.VMEM((B, CW), jnp.float32),
            pltpu.VMEM((B, CW), jnp.float32),
            pltpu.VMEM((ZB, CW), jnp.float32),
            pltpu.VMEM_SHARED((npad, CW), jnp.float32),
            pltpu.SemaphoreType.DMA,
        ])


@functools.lru_cache(maxsize=None)
def _sc_count(npad, nblk):
    rpw = npad // NSUB

    def body(dstb, zconst, oconst, cnt_out,
             dst_v, ones_v, zero_v, cnt_sh, sem):
        c = lax.axis_index("c")
        s = lax.axis_index("s")
        pltpu.sync_copy(zconst, zero_v)
        pltpu.sync_copy(oconst, ones_v)

        def zloop(i, carry):
            pltpu.sync_copy(zero_v, cnt_sh.at[pl.ds(s * rpw + i * ZB, ZB)])
            return carry

        lax.fori_loop(0, rpw // ZB, zloop, 0)
        plsc.subcore_barrier()

        def grp(g, carry):
            pltpu.sync_copy(dstb.at[s, pl.ds(g * G, G)], dst_v)

            def fire(j, carry2):
                pltpu.async_copy(ones_v, cnt_sh.at[dst_v.at[j]], sem,
                                 add=True)
                return carry2

            r = lax.fori_loop(0, G, fire, carry)

            def drain(j, carry2):
                pltpu.make_async_copy(
                    ones_v, cnt_sh.at[dst_v.at[0]], sem).wait()
                return carry2

            return lax.fori_loop(0, G, drain, r)

        lax.fori_loop(0, nblk // G, grp, 0)
        plsc.subcore_barrier()
        pltpu.sync_copy(cnt_sh.at[pl.ds(s * rpw, rpw)],
                        cnt_out.at[c, pl.ds(s * rpw, rpw)])

    return pl.kernel(
        body, mesh=_mesh(),
        out_type=jax.ShapeDtypeStruct((NCORE, npad, CW), jnp.float32),
        scratch_types=[
            pltpu.VMEM((G, B), jnp.int32),
            pltpu.VMEM((B, CW), jnp.float32),
            pltpu.VMEM((ZB, CW), jnp.float32),
            pltpu.VMEM_SHARED((npad, CW), jnp.float32),
            pltpu.SemaphoreType.DMA,
        ])


@functools.lru_cache(maxsize=None)
def _tc_layer(nc, relu, din, dout, npad):
    d_aggr = nc * CW
    rb = npad // 16

    def body(s_ref, cnt_ref, x_ref, wl_ref, wr_ref, b_ref, o_ref):
        accl = jnp.zeros((rb, dout), jnp.float32)
        for ci in range(nc):
            accl += jnp.dot(s_ref[ci], wl_ref[pl.ds(ci * CW, CW), :],
                            preferred_element_type=jnp.float32)
        recip = 1.0 / jnp.maximum(cnt_ref[:, 0:1], 1.0)
        r = accl * recip + jnp.dot(
            x_ref[...], wr_ref[...],
            preferred_element_type=jnp.float32) + b_ref[...]
        if relu:
            r = jnp.maximum(r, 0.0)
        o_ref[...] = r

    return pl.pallas_call(
        body,
        grid=(16,),
        in_specs=[
            pl.BlockSpec((nc, rb, CW), lambda i: (0, i, 0)),
            pl.BlockSpec((rb, CW), lambda i: (i, 0)),
            pl.BlockSpec((rb, din), lambda i: (i, 0)),
            pl.BlockSpec((d_aggr, dout), lambda i: (0, 0)),
            pl.BlockSpec((din, dout), lambda i: (0, 0)),
            pl.BlockSpec((1, dout), lambda i: (0, 0)),
        ],
        out_specs=pl.BlockSpec((rb, dout), lambda i: (i, 0)),
        out_shape=jax.ShapeDtypeStruct((npad, dout), jnp.float32),
        compiler_params=pltpu.CompilerParams(
            dimension_semantics=("arbitrary",)),
    )


def kernel(x, edge_index, W1l, W1r, b1, W2l, W2r, b2):
    n, d_in = x.shape
    e = edge_index.shape[1]
    d_hid = W1l.shape[1]
    d_out = W2l.shape[1]
    nc1 = d_in // CW
    nc2 = d_hid // CW

    npad = _round_up(n + 1, 128)
    nblk = _round_up(_round_up(e, NSUB * B) // (NSUB * B), G)
    e_pad = NSUB * nblk * B

    src = edge_index[0].astype(jnp.int32)
    dst = edge_index[1].astype(jnp.int32)
    src = jnp.concatenate([src, jnp.zeros((e_pad - e,), jnp.int32)])
    dst = jnp.concatenate(
        [dst, jnp.full((e_pad - e,), npad - 1, jnp.int32)])
    src_t = src.reshape(NSUB, nblk, B)
    dstb = dst.reshape(NSUB, nblk, B)
    srcb1 = src_t[None] * nc1 + jnp.arange(
        nc1, dtype=jnp.int32)[:, None, None, None]
    srcb2 = src_t[None] * nc2 + jnp.arange(
        nc2, dtype=jnp.int32)[:, None, None, None]

    zc = jnp.zeros((ZB, CW), jnp.float32)
    oc = jnp.ones((B, CW), jnp.float32)

    x_tab = x.reshape(n * nc1, CW)
    summed1 = _sc_segsum(nc1, npad, nblk, n * nc1)(x_tab, srcb1, dstb, zc)
    cnt = _sc_count(npad, nblk)(dstb, zc, oc)[0]

    x_pad = jnp.pad(x, ((0, npad - n), (0, 0)))
    h = _tc_layer(nc1, True, d_in, d_hid, npad)(
        summed1, cnt, x_pad, W1l, W1r, b1.reshape(1, -1))

    h_tab = h.reshape(npad * nc2, CW)
    summed2 = _sc_segsum(nc2, npad, nblk, npad * nc2)(
        h_tab, srcb2, dstb, zc)

    out_full = _tc_layer(nc2, False, d_hid, d_out, npad)(
        summed2, cnt, h, W2l, W2r, b2.reshape(1, -1))

    return out_full[:n], h[:n]

# --- scband reference (transcript-rebuilt; emitter-appended) ---
"""Pipeline reference for scband-graph-sage-5686536700076 (READ-ONLY COPY).

The authoritative reference and input builder live on the scoring server;
editing this copy changes nothing except your own understanding.
"""

import jax, jax.numpy as jnp
import numpy as np

N = 10000
E = 160000
D_IN = 256
D_HID = 512
D_OUT = 512


def sage_conv(x, src, dst, Wl, Wr, b, n_nodes):
    # PyG SAGEConv (mean aggregation, root_weight=True):
    # out = lin_l(mean_{j in N(i)} x_j) + lin_r(x_i)
    msg = x[src]  # gather source-node features per edge
    summed = jax.ops.segment_sum(msg, dst, num_segments=n_nodes)
    cnt = jax.ops.segment_sum(jnp.ones((src.shape[0], 1), dtype=x.dtype), dst, num_segments=n_nodes)
    aggr = summed / jnp.maximum(cnt, 1.0)
    return aggr @ Wl + x @ Wr + b


def setup_inputs(seed: int = 0) -> dict:
    key = jax.random.key(seed)
    k1, k2, k3, k4, k5, k6 = jax.random.split(key, 6)
    x = jax.random.normal(k1, (N, D_IN), dtype=jnp.float32)
    edge_index = jax.random.randint(k2, (2, E), 0, N, dtype=jnp.int64)
    s1 = 1.0 / np.sqrt(D_IN)
    s2 = 1.0 / np.sqrt(D_HID)
    W1l = jax.random.uniform(k3, (D_IN, D_HID), minval=-s1, maxval=s1, dtype=jnp.float32)
    W1r = jax.random.uniform(k4, (D_IN, D_HID), minval=-s1, maxval=s1, dtype=jnp.float32)
    b1 = jnp.zeros((D_HID,), dtype=jnp.float32)
    W2l = jax.random.uniform(k5, (D_HID, D_OUT), minval=-s2, maxval=s2, dtype=jnp.float32)
    W2r = jax.random.uniform(k6, (D_HID, D_OUT), minval=-s2, maxval=s2, dtype=jnp.float32)
    b2 = jnp.zeros((D_OUT,), dtype=jnp.float32)
    return {"x": x, "edge_index": edge_index, "W1l": W1l, "W1r": W1r, "b1": b1,
            "W2l": W2l, "W2r": W2r, "b2": b2}


def reference(x, edge_index, W1l, W1r, b1, W2l, W2r, b2):
    src = edge_index[0]
    dst = edge_index[1]
    h = sage_conv(x, src, dst, W1l, W1r, b1, N)
    h = jax.nn.relu(h)
    # dropout p=0.5 is identity in eval mode (self.training=False)
    embeddings = h
    out = sage_conv(h, src, dst, W2l, W2r, b2, N)
    return (out, embeddings)

if __name__ == "__main__":
    import jax
    _d = setup_inputs()
    print(jax.jit(kernel)(*tuple(_d.values())))

</pallas_src>

<mosaic_0001>
#map = affine_map<(d0, d1) -> (0, 0, 0)>
#map1 = affine_map<(d0, d1) -> (0, 0)>
module attributes {stable_mosaic.version = 14 : i64} {
  func.func @body(%arg0: i32, %arg1: i32, %arg2: memref<16x160x64xi32, #tpu.memory_space<hbm>>, %arg3: memref<8x128xf32, #tpu.memory_space<hbm>>, %arg4: memref<64x128xf32, #tpu.memory_space<hbm>>, %arg5: memref<2x10112x128xf32, #tpu.memory_space<hbm>>, %arg6: memref<40x64xi32, #tpu.memory_space<vmem>>, %arg7: memref<64x128xf32, #tpu.memory_space<vmem>>, %arg8: memref<8x128xf32, #tpu.memory_space<vmem>>, %arg9: memref<10112x128xf32, #tpu.memory_space<vmem_shared>>, %arg10: memref<!tpu.dma_semaphore, #tpu.memory_space<semaphore_mem>>) attributes {dimension_semantics = [#tpu.dimension_semantics<core_parallel>, #tpu.dimension_semantics<subcore_parallel>], iteration_bounds = array<i64: 2, 16>, scalar_prefetch = 0 : i64, scratch_operands = 5 : i64, tpu.core_type = #tpu.core_type<sc_vector_subcore>, window_params = [{transform_indices = #map}, {transform_indices = #map1}, {transform_indices = #map1}, {transform_indices = #map}]} {
    "tpu.region"() ({
      %run_scoped3A = tpu.sem_alloc : memref<!tpu.dma_semaphore, #tpu.memory_space<semaphore_mem>>
      tpu.enqueue_dma source(%arg3 : memref<8x128xf32, #tpu.memory_space<hbm>>) target(%arg8 : memref<8x128xf32, #tpu.memory_space<vmem>>) target_semaphore(%run_scoped3A : memref<!tpu.dma_semaphore, #tpu.memory_space<semaphore_mem>>)
      tpu.wait_dma2 semaphore(%run_scoped3A : memref<!tpu.dma_semaphore, #tpu.memory_space<semaphore_mem>>) src(%arg3 : memref<8x128xf32, #tpu.memory_space<hbm>>) dst(%arg8 : memref<8x128xf32, #tpu.memory_space<vmem>>)
      tpu.yield
    }) : () -> ()
    "tpu.region"() ({
      %run_scoped3A = tpu.sem_alloc : memref<!tpu.dma_semaphore, #tpu.memory_space<semaphore_mem>>
      tpu.enqueue_dma source(%arg4 : memref<64x128xf32, #tpu.memory_space<hbm>>) target(%arg7 : memref<64x128xf32, #tpu.memory_space<vmem>>) target_semaphore(%run_scoped3A : memref<!tpu.dma_semaphore, #tpu.memory_space<semaphore_mem>>)
      tpu.wait_dma2 semaphore(%run_scoped3A : memref<!tpu.dma_semaphore, #tpu.memory_space<semaphore_mem>>) src(%arg4 : memref<64x128xf32, #tpu.memory_space<hbm>>) dst(%arg7 : memref<64x128xf32, #tpu.memory_space<vmem>>)
      tpu.yield
    }) : () -> ()
    %scan3A = arith.constant 0 : i32
    %scan3A_0 = arith.constant 0 : i32
    %scan3A_1 = arith.constant 79 : i32
    %scan3A_2 = arith.addi %scan3A_0, %scan3A_1 : i32
    %scan3A_3 = arith.constant 1 : i32
    scf.for %scan3A_15 = %scan3A_0 to %scan3A_2 step %scan3A_3  : i32 {
      %mul3A_16 = arith.constant 632 : i32
      %mul3A_17 = arith.muli %arg1, %mul3A_16 : i32
      %mul3A_18 = arith.constant 8 : i32
      %mul3A_19 = arith.muli %scan3A_15, %mul3A_18 : i32
      %add3A = arith.addi %mul3A_17, %mul3A_19 : i32
      "tpu.region"() ({
        %run_scoped3A = tpu.sem_alloc : memref<!tpu.dma_semaphore, #tpu.memory_space<semaphore_mem>>
        %dma_start3A = arith.constant 0 : i32
        %dma_start3A_20 = tpu.memref_slice %arg9[%add3A, %dma_start3A] : memref<10112x128xf32, #tpu.memory_space<vmem_shared>> -> memref<8x128xf32, #tpu.memory_space<vmem_shared>>
        %dma_start3A_21 = arith.constant 0 : i32
        %dma_start3A_22 = tpu.memref_slice %arg9[%add3A, %dma_start3A_21] : memref<10112x128xf32, #tpu.memory_space<vmem_shared>> -> memref<8x128xf32, #tpu.memory_space<vmem_shared>>
        tpu.enqueue_dma source(%arg8 : memref<8x128xf32, #tpu.memory_space<vmem>>) target(%dma_start3A_22 : memref<8x128xf32, #tpu.memory_space<vmem_shared>>) target_semaphore(%run_scoped3A : memref<!tpu.dma_semaphore, #tpu.memory_space<semaphore_mem>>)
        %dma_wait3A = arith.constant 0 : i32
        %dma_wait3A_23 = tpu.memref_slice %arg9[%add3A, %dma_wait3A] : memref<10112x128xf32, #tpu.memory_space<vmem_shared>> -> memref<8x128xf32, #tpu.memory_space<vmem_shared>>
        %dma_wait3A_24 = arith.constant 0 : i32
        %dma_wait3A_25 = tpu.memref_slice %arg9[%add3A, %dma_wait3A_24] : memref<10112x128xf32, #tpu.memory_space<vmem_shared>> -> memref<8x128xf32, #tpu.memory_space<vmem_shared>>
        tpu.wait_dma2 semaphore(%run_scoped3A : memref<!tpu.dma_semaphore, #tpu.memory_space<semaphore_mem>>) src(%arg8 : memref<8x128xf32, #tpu.memory_space<vmem>>) dst(%dma_wait3A_25 : memref<8x128xf32, #tpu.memory_space<vmem_shared>>)
        tpu.yield
      }) : () -> ()
    }
    %scan3A_4 = arith.constant 79 : i32
    %barrier3A = arith.constant 0 : index
    tpu.barrier barrier_id(%barrier3A)
    %scan3A_5 = arith.constant 0 : i32
    %scan3A_6 = arith.constant 0 : i32
    %scan3A_7 = arith.constant 4 : i32
    %scan3A_8 = arith.addi %scan3A_6, %scan3A_7 : i32
    %scan3A_9 = arith.constant 1 : i32
    scf.for %scan3A_15 = %scan3A_6 to %scan3A_8 step %scan3A_9  : i32 {
      %mul3A_16 = arith.constant 40 : i32
      %mul3A_17 = arith.muli %scan3A_15, %mul3A_16 : i32
      "tpu.region"() ({
        %run_scoped3A = tpu.sem_alloc : memref<!tpu.dma_semaphore, #tpu.memory_space<semaphore_mem>>
        %dma_start3A = arith.constant 0 : i32
        %dma_start3A_28 = tpu.memref_slice %arg2[%arg1, %mul3A_17, %dma_start3A] : memref<16x160x64xi32, #tpu.memory_space<hbm>> -> memref<1x40x64xi32, #tpu.memory_space<hbm>>
        %dma_start3A_29 = tpu.memref_squeeze %dma_start3A_28 : memref<1x40x64xi32, #tpu.memory_space<hbm>> -> memref<40x64xi32, #tpu.memory_space<hbm>>
        %dma_start3A_30 = arith.constant 0 : i32
        %dma_start3A_31 = tpu.memref_slice %arg2[%arg1, %mul3A_17, %dma_start3A_30] : memref<16x160x64xi32, #tpu.memory_space<hbm>> -> memref<1x40x64xi32, #tpu.memory_space<hbm>>
        %dma_start3A_32 = tpu.memref_squeeze %dma_start3A_31 : memref<1x40x64xi32, #tpu.memory_space<hbm>> -> memref<40x64xi32, #tpu.memory_space<hbm>>
        tpu.enqueue_dma source(%dma_start3A_32 : memref<40x64xi32, #tpu.memory_space<hbm>>) target(%arg6 : memref<40x64xi32, #tpu.memory_space<vmem>>) target_semaphore(%run_scoped3A : memref<!tpu.dma_semaphore, #tpu.memory_space<semaphore_mem>>)
        %dma_wait3A = arith.constant 0 : i32
        %dma_wait3A_33 = tpu.memref_slice %arg2[%arg1, %mul3A_17, %dma_wait3A] : memref<16x160x64xi32, #tpu.memory_space<hbm>> -> memref<1x40x64xi32, #tpu.memory_space<hbm>>
        %dma_wait3A_34 = tpu.memref_squeeze %dma_wait3A_33 : memref<1x40x64xi32, #tpu.memory_space<hbm>> -> memref<40x64xi32, #tpu.memory_space<hbm>>
        %dma_wait3A_35 = arith.constant 0 : i32
        %dma_wait3A_36 = tpu.memref_slice %arg2[%arg1, %mul3A_17, %dma_wait3A_35] : memref<16x160x64xi32, #tpu.memory_space<hbm>> -> memref<1x40x64xi32, #tpu.memory_space<hbm>>
        %dma_wait3A_37 = tpu.memref_squeeze %dma_wait3A_36 : memref<1x40x64xi32, #tpu.memory_space<hbm>> -> memref<40x64xi32, #tpu.memory_space<hbm>>
        tpu.wait_dma2 semaphore(%run_scoped3A : memref<!tpu.dma_semaphore, #tpu.memory_space<semaphore_mem>>) src(%dma_wait3A_37 : memref<40x64xi32, #tpu.memory_space<hbm>>) dst(%arg6 : memref<40x64xi32, #tpu.memory_space<vmem>>)
        tpu.yield
      }) : () -> ()
      %scan3A_18 = arith.constant 0 : i32
      %scan3A_19 = arith.constant 40 : i32
      %scan3A_20 = arith.addi %scan3A_18, %scan3A_19 : i32
      %scan3A_21 = arith.constant 1 : i32
      scf.for %scan3A_28 = %scan3A_18 to %scan3A_20 step %scan3A_21  : i32 {
        %dma_start3A = arith.constant 0 : i32
        %dma_start3A_29 = tpu.memref_slice %arg6[%scan3A_28, %dma_start3A] : memref<40x64xi32, #tpu.memory_space<vmem>> -> memref<1x64xi32, #tpu.memory_space<vmem>>
        %dma_start3A_30 = tpu.memref_squeeze %dma_start3A_29 : memref<1x64xi32, #tpu.memory_space<vmem>> -> memref<64xi32, #tpu.memory_space<vmem>>
        %dma_start3A_31 = arith.constant 0 : i32
        %dma_start3A_32 = arith.constant 0 : i32
        %dma_start3A_33 = tpu.memref_slice %arg9[%dma_start3A_31, %dma_start3A_32] : memref<10112x128xf32, #tpu.memory_space<vmem_shared>> -> memref<10112x128xf32, #tpu.memory_space<vmem_shared>>
        tpu.enqueue_indirect_dma source(%arg7 : memref<64x128xf32, #tpu.memory_space<vmem>>) target(%dma_start3A_33 : memref<10112x128xf32, #tpu.memory_space<vmem_shared>>) offsets(%dma_start3A_30 : memref<64xi32, #tpu.memory_space<vmem>>) semaphore(%arg10 : memref<!tpu.dma_semaphore, #tpu.memory_space<semaphore_mem>>) {add = true}
      }
      %scan3A_22 = arith.constant 40 : i32
      %scan3A_23 = arith.constant 0 : i32
      %scan3A_24 = arith.constant 40 : i32
      %scan3A_25 = arith.addi %scan3A_23, %scan3A_24 : i32
      %scan3A_26 = arith.constant 1 : i32
      scf.for %scan3A_28 = %scan3A_23 to %scan3A_25 step %scan3A_26  : i32 {
        %dma_wait3A = arith.constant 0 : i32
        %dma_wait3A_29 = arith.constant 0 : i32
        %dma_wait3A_30 = tpu.memref_slice %arg6[%dma_wait3A, %dma_wait3A_29] : memref<40x64xi32, #tpu.memory_space<vmem>> -> memref<1x64xi32, #tpu.memory_space<vmem>>
        %dma_wait3A_31 = tpu.memref_squeeze %dma_wait3A_30 : memref<1x64xi32, #tpu.memory_space<vmem>> -> memref<64xi32, #tpu.memory_space<vmem>>
        %dma_wait3A_32 = arith.constant 0 : i32
        %dma_wait3A_33 = arith.constant 0 : i32
        %dma_wait3A_34 = tpu.memref_slice %arg9[%dma_wait3A_32, %dma_wait3A_33] : memref<10112x128xf32, #tpu.memory_space<vmem_shared>> -> memref<10112x128xf32, #tpu.memory_space<vmem_shared>>
        tpu.wait_indirect_dma semaphore(%arg10 : memref<!tpu.dma_semaphore, #tpu.memory_space<semaphore_mem>>) src(%arg7 : memref<64x128xf32, #tpu.memory_space<vmem>>) dst(%dma_wait3A_34 : memref<10112x128xf32, #tpu.memory_space<vmem_shared>>)
      }
      %scan3A_27 = arith.constant 40 : i32
    }
    %scan3A_10 = arith.constant 4 : i32
    %barrier3A_11 = arith.constant 0 : index
    tpu.barrier barrier_id(%barrier3A_11)
    %mul3A = arith.constant 632 : i32
    %mul3A_12 = arith.muli %arg1, %mul3A : i32
    %mul3A_13 = arith.constant 632 : i32
    %mul3A_14 = arith.muli %arg1, %mul3A_13 : i32
    "tpu.region"() ({
      %run_scoped3A = tpu.sem_alloc : memref<!tpu.dma_semaphore, #tpu.memory_space<semaphore_mem>>
      %dma_start3A = arith.constant 0 : i32
      %dma_start3A_15 = tpu.memref_slice %arg5[%arg0, %mul3A_14, %dma_start3A] : memref<2x10112x128xf32, #tpu.memory_space<hbm>> -> memref<1x632x128xf32, #tpu.memory_space<hbm>>
      %dma_start3A_16 = tpu.memref_squeeze %dma_start3A_15 : memref<1x632x128xf32, #tpu.memory_space<hbm>> -> memref<632x128xf32, #tpu.memory_space<hbm>>
      %dma_start3A_17 = arith.constant 0 : i32
      %dma_start3A_18 = tpu.memref_slice %arg9[%mul3A_12, %dma_start3A_17] : memref<10112x128xf32, #tpu.memory_space<vmem_shared>> -> memref<632x128xf32, #tpu.memory_space<vmem_shared>>
      tpu.enqueue_dma source(%dma_start3A_18 : memref<632x128xf32, #tpu.memory_space<vmem_shared>>) target(%dma_start3A_16 : memref<632x128xf32, #tpu.memory_space<hbm>>) target_semaphore(%run_scoped3A : memref<!tpu.dma_semaphore, #tpu.memory_space<semaphore_mem>>)
      %dma_wait3A = arith.constant 0 : i32
      %dma_wait3A_19 = tpu.memref_slice %arg5[%arg0, %mul3A_14, %dma_wait3A] : memref<2x10112x128xf32, #tpu.memory_space<hbm>> -> memref<1x632x128xf32, #tpu.memory_space<hbm>>
      %dma_wait3A_20 = tpu.memref_squeeze %dma_wait3A_19 : memref<1x632x128xf32, #tpu.memory_space<hbm>> -> memref<632x128xf32, #tpu.memory_space<hbm>>
      %dma_wait3A_21 = arith.constant 0 : i32
      %dma_wait3A_22 = tpu.memref_slice %arg9[%mul3A_12, %dma_wait3A_21] : memref<10112x128xf32, #tpu.memory_space<vmem_shared>> -> memref<632x128xf32, #tpu.memory_space<vmem_shared>>
      tpu.wait_dma2 semaphore(%run_scoped3A : memref<!tpu.dma_semaphore, #tpu.memory_space<semaphore_mem>>) src(%dma_wait3A_22 : memref<632x128xf32, #tpu.memory_space<vmem_shared>>) dst(%dma_wait3A_20 : memref<632x128xf32, #tpu.memory_space<hbm>>)
      tpu.yield
    }) : () -> ()
    return
  }
}

#map = affine_map<(d0, d1) -> (0, 0)>
#map1 = affine_map<(d0, d1) -> (0, 0, 0, 0)>
#map2 = affine_map<(d0, d1) -> (0, 0, 0)>
module attributes {stable_mosaic.version = 14 : i64} {
  func.func @body(%arg0: i32, %arg1: i32, %arg2: memref<40448x128xf32, #tpu.memory_space<hbm>>, %arg3: memref<4x16x160x64xi32, #tpu.memory_space<hbm>>, %arg4: memref<16x160x64xi32, #tpu.memory_space<hbm>>, %arg5: memref<8x128xf32, #tpu.memory_space<hbm>>, %arg6: memref<4x10112x128xf32, #tpu.memory_space<hbm>>, %arg7: memref<40x64xi32, #tpu.memory_space<vmem>>, %arg8: memref<40x64xi32, #tpu.memory_space<vmem>>, %arg9: memref<64x128xf32, #tpu.memory_space<vmem>>, %arg10: memref<64x128xf32, #tpu.memory_space<vmem>>, %arg11: memref<8x128xf32, #tpu.memory_space<vmem>>, %arg12: memref<10112x128xf32, #tpu.memory_space<vmem_shared>>, %arg13: memref<!tpu.dma_semaphore, #tpu.memory_space<semaphore_mem>>) attributes {dimension_semantics = [#tpu.dimension_semantics<core_parallel>, #tpu.dimension_semantics<subcore_parallel>], iteration_bounds = array<i64: 2, 16>, scalar_prefetch = 0 : i64, scratch_operands = 7 : i64, tpu.core_type = #tpu.core_type<sc_vector_subcore>, window_params = [{transform_indices = #map}, {transform_indices = #map1}, {transform_indices = #map2}, {transform_indices = #map}, {transform_indices = #map2}]} {
    "tpu.region"() ({
      %run_scoped3A = tpu.sem_alloc : memref<!tpu.dma_semaphore, #tpu.memory_space<semaphore_mem>>
      tpu.enqueue_dma source(%arg5 : memref<8x128xf32, #tpu.memory_space<hbm>>) target(%arg11 : memref<8x128xf32, #tpu.memory_space<vmem>>) target_semaphore(%run_scoped3A : memref<!tpu.dma_semaphore, #tpu.memory_space<semaphore_mem>>)
      tpu.wait_dma2 semaphore(%run_scoped3A : memref<!tpu.dma_semaphore, #tpu.memory_space<semaphore_mem>>) src(%arg5 : memref<8x128xf32, #tpu.memory_space<hbm>>) dst(%arg11 : memref<8x128xf32, #tpu.memory_space<vmem>>)
      tpu.yield
    }) : () -> ()
    %mul3A = arith.constant 2 : i32
    %mul3A_0 = arith.muli %arg0, %mul3A : i32
    %add3A = arith.constant 0 : i32
    %add3A_1 = arith.addi %mul3A_0, %add3A : i32
    %scan3A = arith.constant 0 : i32
    %scan3A_2 = arith.constant 0 : i32
    %scan3A_3 = arith.constant 79 : i32
    %scan3A_4 = arith.addi %scan3A_2, %scan3A_3 : i32
    %scan3A_5 = arith.constant 1 : i32
    scf.for %scan3A_42 = %scan3A_2 to %scan3A_4 step %scan3A_5  : i32 {
      %mul3A_43 = arith.constant 632 : i32
      %mul3A_44 = arith.muli %arg1, %mul3A_43 : i32
      %mul3A_45 = arith.constant 8 : i32
      %mul3A_46 = arith.muli %scan3A_42, %mul3A_45 : i32
      %add3A_47 = arith.addi %mul3A_44, %mul3A_46 : i32
      "tpu.region"() ({
        %run_scoped3A = tpu.sem_alloc : memref<!tpu.dma_semaphore, #tpu.memory_space<semaphore_mem>>
        %dma_start3A = arith.constant 0 : i32
        %dma_start3A_48 = tpu.memref_slice %arg12[%add3A_47, %dma_start3A] : memref<10112x128xf32, #tpu.memory_space<vmem_shared>> -> memref<8x128xf32, #tpu.memory_space<vmem_shared>>
        %dma_start3A_49 = arith.constant 0 : i32
        %dma_start3A_50 = tpu.memref_slice %arg12[%add3A_47, %dma_start3A_49] : memref<10112x128xf32, #tpu.memory_space<vmem_shared>> -> memref<8x128xf32, #tpu.memory_space<vmem_shared>>
        tpu.enqueue_dma source(%arg11 : memref<8x128xf32, #tpu.memory_space<vmem>>) target(%dma_start3A_50 : memref<8x128xf32, #tpu.memory_space<vmem_shared>>) target_semaphore(%run_scoped3A : memref<!tpu.dma_semaphore, #tpu.memory_space<semaphore_mem>>)
        %dma_wait3A = arith.constant 0 : i32
        %dma_wait3A_51 = tpu.memref_slice %arg12[%add3A_47, %dma_wait3A] : memref<10112x128xf32, #tpu.memory_space<vmem_shared>> -> memref<8x128xf32, #tpu.memory_space<vmem_shared>>
        %dma_wait3A_52 = arith.constant 0 : i32
        %dma_wait3A_53 = tpu.memref_slice %arg12[%add3A_47, %dma_wait3A_52] : memref<10112x128xf32, #tpu.memory_space<vmem_shared>> -> memref<8x128xf32, #tpu.memory_space<vmem_shared>>
        tpu.wait_dma2 semaphore(%run_scoped3A : memref<!tpu.dma_semaphore, #tpu.memory_space<semaphore_mem>>) src(%arg11 : memref<8x128xf32, #tpu.memory_space<vmem>>) dst(%dma_wait3A_53 : memref<8x128xf32, #tpu.memory_space<vmem_shared>>)
        tpu.yield
      }) : () -> ()
    }
    %scan3A_6 = arith.constant 79 : i32
    %barrier3A = arith.constant 0 : index
    tpu.barrier barrier_id(%barrier3A)
    %scan3A_7 = arith.constant 0 : i32
    %scan3A_8 = arith.constant 0 : i32
    %scan3A_9 = arith.constant 4 : i32
    %scan3A_10 = arith.addi %scan3A_8, %scan3A_9 : i32
    %scan3A_11 = arith.constant 1 : i32
    scf.for %scan3A_42 = %scan3A_8 to %scan3A_10 step %scan3A_11  : i32 {
      %mul3A_43 = arith.constant 40 : i32
      %mul3A_44 = arith.muli %scan3A_42, %mul3A_43 : i32
      "tpu.region"() ({
        %run_scoped3A = tpu.sem_alloc : memref<!tpu.dma_semaphore, #tpu.memory_space<semaphore_mem>>
        %dma_start3A_64 = arith.constant 0 : i32
        %dma_start3A_65 = tpu.memref_slice %arg3[%add3A_1, %arg1, %mul3A_44, %dma_start3A_64] : memref<4x16x160x64xi32, #tpu.memory_space<hbm>> -> memref<1x1x40x64xi32, #tpu.memory_space<hbm>>
        %dma_start3A_66 = tpu.memref_squeeze %dma_start3A_65 : memref<1x1x40x64xi32, #tpu.memory_space<hbm>> -> memref<40x64xi32, #tpu.memory_space<hbm>>
        %dma_start3A_67 = arith.constant 0 : i32
        %dma_start3A_68 = tpu.memref_slice %arg3[%add3A_1, %arg1, %mul3A_44, %dma_start3A_67] : memref<4x16x160x64xi32, #tpu.memory_space<hbm>> -> memref<1x1x40x64xi32, #tpu.memory_space<hbm>>
        %dma_start3A_69 = tpu.memref_squeeze %dma_start3A_68 : memref<1x1x40x64xi32, #tpu.memory_space<hbm>> -> memref<40x64xi32, #tpu.memory_space<hbm>>
        tpu.enqueue_dma source(%dma_start3A_69 : memref<40x64xi32, #tpu.memory_space<hbm>>) target(%arg7 : memref<40x64xi32, #tpu.memory_space<vmem>>) target_semaphore(%run_scoped3A : memref<!tpu.dma_semaphore, #tpu.memory_space<semaphore_mem>>)
        %dma_wait3A_70 = arith.constant 0 : i32
        %dma_wait3A_71 = tpu.memref_slice %arg3[%add3A_1, %arg1, %mul3A_44, %dma_wait3A_70] : memref<4x16x160x64xi32, #tpu.memory_space<hbm>> -> memref<1x1x40x64xi32, #tpu.memory_space<hbm>>
        %dma_wait3A_72 = tpu.memref_squeeze %dma_wait3A_71 : memref<1x1x40x64xi32, #tpu.memory_space<hbm>> -> memref<40x64xi32, #tpu.memory_space<hbm>>
        %dma_wait3A_73 = arith.constant 0 : i32
        %dma_wait3A_74 = tpu.memref_slice %arg3[%add3A_1, %arg1, %mul3A_44, %dma_wait3A_73] : memref<4x16x160x64xi32, #tpu.memory_space<hbm>> -> memref<1x1x40x64xi32, #tpu.memory_space<hbm>>
        %dma_wait3A_75 = tpu.memref_squeeze %dma_wait3A_74 : memref<1x1x40x64xi32, #tpu.memory_space<hbm>> -> memref<40x64xi32, #tpu.memory_space<hbm>>
        tpu.wait_dma2 semaphore(%run_scoped3A : memref<!tpu.dma_semaphore, #tpu.memory_space<semaphore_mem>>) src(%dma_wait3A_75 : memref<40x64xi32, #tpu.memory_space<hbm>>) dst(%arg7 : memref<40x64xi32, #tpu.memory_space<vmem>>)
        tpu.yield
      }) : () -> ()
      %mul3A_45 = arith.constant 40 : i32
      %mul3A_46 = arith.muli %scan3A_42, %mul3A_45 : i32
      "tpu.region"() ({
        %run_scoped3A = tpu.sem_alloc : memref<!tpu.dma_semaphore, #tpu.memory_space<semaphore_mem>>
        %dma_start3A_64 = arith.constant 0 : i32
        %dma_start3A_65 = tpu.memref_slice %arg4[%arg1, %mul3A_46, %dma_start3A_64] : memref<16x160x64xi32, #tpu.memory_space<hbm>> -> memref<1x40x64xi32, #tpu.memory_space<hbm>>
        %dma_start3A_66 = tpu.memref_squeeze %dma_start3A_65 : memref<1x40x64xi32, #tpu.memory_space<hbm>> -> memref<40x64xi32, #tpu.memory_space<hbm>>
        %dma_start3A_67 = arith.constant 0 : i32
        %dma_start3A_68 = tpu.memref_slice %arg4[%arg1, %mul3A_46, %dma_start3A_67] : memref<16x160x64xi32, #tpu.memory_space<hbm>> -> memref<1x40x64xi32, #tpu.memory_space<hbm>>
        %dma_start3A_69 = tpu.memref_squeeze %dma_start3A_68 : memref<1x40x64xi32, #tpu.memory_space<hbm>> -> memref<40x64xi32, #tpu.memory_space<hbm>>
        tpu.enqueue_dma source(%dma_start3A_69 : memref<40x64xi32, #tpu.memory_space<hbm>>) target(%arg8 : memref<40x64xi32, #tpu.memory_space<vmem>>) target_semaphore(%run_scoped3A : memref<!tpu.dma_semaphore, #tpu.memory_space<semaphore_mem>>)
        %dma_wait3A_70 = arith.constant 0 : i32
        %dma_wait3A_71 = tpu.memref_slice %arg4[%arg1, %mul3A_46, %dma_wait3A_70] : memref<16x160x64xi32, #tpu.memory_space<hbm>> -> memref<1x40x64xi32, #tpu.memory_space<hbm>>
        %dma_wait3A_72 = tpu.memref_squeeze %dma_wait3A_71 : memref<1x40x64xi32, #tpu.memory_space<hbm>> -> memref<40x64xi32, #tpu.memory_space<hbm>>
        %dma_wait3A_73 = arith.constant 0 : i32
        %dma_wait3A_74 = tpu.memref_slice %arg4[%arg1, %mul3A_46, %dma_wait3A_73] : memref<16x160x64xi32, #tpu.memory_space<hbm>> -> memref<1x40x64xi32, #tpu.memory_space<hbm>>
        %dma_wait3A_75 = tpu.memref_squeeze %dma_wait3A_74 : memref<1x40x64xi32, #tpu.memory_space<hbm>> -> memref<40x64xi32, #tpu.memory_space<hbm>>
        tpu.wait_dma2 semaphore(%run_scoped3A : memref<!tpu.dma_semaphore, #tpu.memory_space<semaphore_mem>>) src(%dma_wait3A_75 : memref<40x64xi32, #tpu.memory_space<hbm>>) dst(%arg8 : memref<40x64xi32, #tpu.memory_space<vmem>>)
        tpu.yield
      }) : () -> ()
      %dma_start3A = arith.constant 0 : i32
      %dma_start3A_47 = arith.constant 0 : i32
      %dma_start3A_48 = tpu.memref_slice %arg7[%dma_start3A, %dma_start3A_47] : memref<40x64xi32, #tpu.memory_space<vmem>> -> memref<1x64xi32, #tpu.memory_space<vmem>>
      %dma_start3A_49 = tpu.memref_squeeze %dma_start3A_48 : memref<1x64xi32, #tpu.memory_space<vmem>> -> memref<64xi32, #tpu.memory_space<vmem>>
      %dma_start3A_50 = arith.constant 0 : i32
      %dma_start3A_51 = arith.constant 0 : i32
      %dma_start3A_52 = tpu.memref_slice %arg2[%dma_start3A_50, %dma_start3A_51] : memref<40448x128xf32, #tpu.memory_space<hbm>> -> memref<40448x128xf32, #tpu.memory_space<hbm>>
      tpu.enqueue_indirect_dma source(%dma_start3A_52 : memref<40448x128xf32, #tpu.memory_space<hbm>>) target(%arg9 : memref<64x128xf32, #tpu.memory_space<vmem>>) offsets(%dma_start3A_49 : memref<64xi32, #tpu.memory_space<vmem>>) semaphore(%arg13 : memref<!tpu.dma_semaphore, #tpu.memory_space<semaphore_mem>>)
      %scan3A_53 = arith.constant 0 : i32
      %scan3A_54 = arith.constant 20 : i32
      %scan3A_55 = arith.addi %scan3A_53, %scan3A_54 : i32
      %scan3A_56 = arith.constant 1 : i32
      scf.for %scan3A_64 = %scan3A_53 to %scan3A_55 step %scan3A_56  : i32 {
        %mul3A_65 = arith.constant 2 : i32
        %mul3A_66 = arith.muli %mul3A_65, %scan3A_64 : i32
        %add3A_67 = arith.constant 2 : i32
        %add3A_68 = arith.addi %mul3A_66, %add3A_67 : i32
        %min3A = arith.constant 39 : i32
        %min3A_69 = arith.minsi %add3A_68, %min3A : i32
        %dma_wait3A_70 = arith.constant 0 : i32
        %dma_wait3A_71 = tpu.memref_slice %arg7[%mul3A_66, %dma_wait3A_70] : memref<40x64xi32, #tpu.memory_space<vmem>> -> memref<1x64xi32, #tpu.memory_space<vmem>>
        %dma_wait3A_72 = tpu.memref_squeeze %dma_wait3A_71 : memref<1x64xi32, #tpu.memory_space<vmem>> -> memref<64xi32, #tpu.memory_space<vmem>>
        %dma_wait3A_73 = arith.constant 0 : i32
        %dma_wait3A_74 = arith.constant 0 : i32
        %dma_wait3A_75 = tpu.memref_slice %arg2[%dma_wait3A_73, %dma_wait3A_74] : memref<40448x128xf32, #tpu.memory_space<hbm>> -> memref<40448x128xf32, #tpu.memory_space<hbm>>
        tpu.wait_indirect_dma semaphore(%arg13 : memref<!tpu.dma_semaphore, #tpu.memory_space<semaphore_mem>>) src(%dma_wait3A_75 : memref<40448x128xf32, #tpu.memory_space<hbm>>) dst(%arg9 : memref<64x128xf32, #tpu.memory_space<vmem>>)
        %add3A_76 = arith.constant 1 : i32
        %add3A_77 = arith.addi %mul3A_66, %add3A_76 : i32
        %dma_start3A_78 = arith.constant 0 : i32
        %dma_start3A_79 = tpu.memref_slice %arg7[%add3A_77, %dma_start3A_78] : memref<40x64xi32, #tpu.memory_space<vmem>> -> memref<1x64xi32, #tpu.memory_space<vmem>>
        %dma_start3A_80 = tpu.memref_squeeze %dma_start3A_79 : memref<1x64xi32, #tpu.memory_space<vmem>> -> memref<64xi32, #tpu.memory_space<vmem>>
        %dma_start3A_81 = arith.constant 0 : i32
        %dma_start3A_82 = arith.constant 0 : i32
        %dma_start3A_83 = tpu.memref_slice %arg2[%dma_start3A_81, %dma_start3A_82] : memref<40448x128xf32, #tpu.memory_space<hbm>> -> memref<40448x128xf32, #tpu.memory_space<hbm>>
        tpu.enqueue_indirect_dma source(%dma_start3A_83 : memref<40448x128xf32, #tpu.memory_space<hbm>>) target(%arg10 : memref<64x128xf32, #tpu.memory_space<vmem>>) offsets(%dma_start3A_80 : memref<64xi32, #tpu.memory_space<vmem>>) semaphore(%arg13 : memref<!tpu.dma_semaphore, #tpu.memory_space<semaphore_mem>>)
        "tpu.region"() ({
          %run_scoped3A = tpu.sem_alloc : memref<!tpu.dma_semaphore, #tpu.memory_space<semaphore_mem>>
          %dma_start3A_100 = arith.constant 0 : i32
          %dma_start3A_101 = tpu.memref_slice %arg8[%mul3A_66, %dma_start3A_100] : memref<40x64xi32, #tpu.memory_space<vmem>> -> memref<1x64xi32, #tpu.memory_space<vmem>>
          %dma_start3A_102 = tpu.memref_squeeze %dma_start3A_101 : memref<1x64xi32, #tpu.memory_space<vmem>> -> memref<64xi32, #tpu.memory_space<vmem>>
          %dma_start3A_103 = arith.constant 0 : i32
          %dma_start3A_104 = arith.constant 0 : i32
          %dma_start3A_105 = tpu.memref_slice %arg12[%dma_start3A_103, %dma_start3A_104] : memref<10112x128xf32, #tpu.memory_space<vmem_shared>> -> memref<10112x128xf32, #tpu.memory_space<vmem_shared>>
          tpu.enqueue_indirect_dma source(%arg9 : memref<64x128xf32, #tpu.memory_space<vmem>>) target(%dma_start3A_105 : memref<10112x128xf32, #tpu.memory_space<vmem_shared>>) offsets(%dma_start3A_102 : memref<64xi32, #tpu.memory_space<vmem>>) semaphore(%run_scoped3A : memref<!tpu.dma_semaphore, #tpu.memory_space<semaphore_mem>>) {add = true}
          %dma_wait3A_106 = arith.constant 0 : i32
          %dma_wait3A_107 = tpu.memref_slice %arg8[%mul3A_66, %dma_wait3A_106] : memref<40x64xi32, #tpu.memory_space<vmem>> -> memref<1x64xi32, #tpu.memory_space<vmem>>
          %dma_wait3A_108 = tpu.memref_squeeze %dma_wait3A_107 : memref<1x64xi32, #tpu.memory_space<vmem>> -> memref<64xi32, #tpu.memory_space<vmem>>
          %dma_wait3A_109 = arith.constant 0 : i32
          %dma_wait3A_110 = arith.constant 0 : i32
          %dma_wait3A_111 = tpu.memref_slice %arg12[%dma_wait3A_109, %dma_wait3A_110] : memref<10112x128xf32, #tpu.memory_space<vmem_shared>> -> memref<10112x128xf32, #tpu.memory_space<vmem_shared>>
          tpu.wait_indirect_dma semaphore(%run_scoped3A : memref<!tpu.dma_semaphore, #tpu.memory_space<semaphore_mem>>) src(%arg9 : memref<64x128xf32, #tpu.memory_space<vmem>>) dst(%dma_wait3A_111 : memref<10112x128xf32, #tpu.memory_space<vmem_shared>>)
          tpu.yield
        }) : () -> ()
        %add3A_84 = arith.constant 1 : i32
        %add3A_85 = arith.addi %mul3A_66, %add3A_84 : i32
        %dma_wait3A_86 = arith.constant 0 : i32
        %dma_wait3A_87 = tpu.memref_slice %arg7[%add3A_85, %dma_wait3A_86] : memref<40x64xi32, #tpu.memory_space<vmem>> -> memref<1x64xi32, #tpu.memory_space<vmem>>
        %dma_wait3A_88 = tpu.memref_squeeze %dma_wait3A_87 : memref<1x64xi32, #tpu.memory_space<vmem>> -> memref<64xi32, #tpu.memory_space<vmem>>
        %dma_wait3A_89 = arith.constant 0 : i32
        %dma_wait3A_90 = arith.constant 0 : i32
        %dma_wait3A_91 = tpu.memref_slice %arg2[%dma_wait3A_89, %dma_wait3A_90] : memref<40448x128xf32, #tpu.memory_space<hbm>> -> memref<40448x128xf32, #tpu.memory_space<hbm>>
        tpu.wait_indirect_dma semaphore(%arg13 : memref<!tpu.dma_semaphore, #tpu.memory_space<semaphore_mem>>) src(%dma_wait3A_91 : memref<40448x128xf32, #tpu.memory_space<hbm>>) dst(%arg10 : memref<64x128xf32, #tpu.memory_space<vmem>>)
        %dma_start3A_92 = arith.constant 0 : i32
        %dma_start3A_93 = tpu.memref_slice %arg7[%min3A_69, %dma_start3A_92] : memref<40x64xi32, #tpu.memory_space<vmem>> -> memref<1x64xi32, #tpu.memory_space<vmem>>
        %dma_start3A_94 = tpu.memref_squeeze %dma_start3A_93 : memref<1x64xi32, #tpu.memory_space<vmem>> -> memref<64xi32, #tpu.memory_space<vmem>>
        %dma_start3A_95 = arith.constant 0 : i32
        %dma_start3A_96 = arith.constant 0 : i32
        %dma_start3A_97 = tpu.memref_slice %arg2[%dma_start3A_95, %dma_start3A_96] : memref<40448x128xf32, #tpu.memory_space<hbm>> -> memref<40448x128xf32, #tpu.memory_space<hbm>>
        tpu.enqueue_indirect_dma source(%dma_start3A_97 : memref<40448x128xf32, #tpu.memory_space<hbm>>) target(%arg9 : memref<64x128xf32, #tpu.memory_space<vmem>>) offsets(%dma_start3A_94 : memref<64xi32, #tpu.memory_space<vmem>>) semaphore(%arg13 : memref<!tpu.dma_semaphore, #tpu.memory_space<semaphore_mem>>)
        %add3A_98 = arith.constant 1 : i32
        %add3A_99 = arith.addi %mul3A_66, %add3A_98 : i32
        "tpu.region"() ({
          %run_scoped3A = tpu.sem_alloc : memref<!tpu.dma_semaphore, #tpu.memory_space<semaphore_mem>>
          %dma_start3A_100 = arith.constant 0 : i32
          %dma_start3A_101 = tpu.memref_slice %arg8[%add3A_99, %dma_start3A_100] : memref<40x64xi32, #tpu.memory_space<vmem>> -> memref<1x64xi32, #tpu.memory_space<vmem>>
          %dma_start3A_102 = tpu.memref_squeeze %dma_start3A_101 : memref<1x64xi32, #tpu.memory_space<vmem>> -> memref<64xi32, #tpu.memory_space<vmem>>
          %dma_start3A_103 = arith.constant 0 : i32
          %dma_start3A_104 = arith.constant 0 : i32
          %dma_start3A_105 = tpu.memref_slice %arg12[%dma_start3A_103, %dma_start3A_104] : memref<10112x128xf32, #tpu.memory_space<vmem_shared>> -> memref<10112x128xf32, #tpu.memory_space<vmem_shared>>
          tpu.enqueue_indirect_dma source(%arg10 : memref<64x128xf32, #tpu.memory_space<vmem>>) target(%dma_start3A_105 : memref<10112x128xf32, #tpu.memory_space<vmem_shared>>) offsets(%dma_start3A_102 : memref<64xi32, #tpu.memory_space<vmem>>) semaphore(%run_scoped3A : memref<!tpu.dma_semaphore, #tpu.memory_space<semaphore_mem>>) {add = true}
          %dma_wait3A_106 = arith.constant 0 : i32
          %dma_wait3A_107 = tpu.memref_slice %arg8[%add3A_99, %dma_wait3A_106] : memref<40x64xi32, #tpu.memory_space<vmem>> -> memref<1x64xi32, #tpu.memory_space<vmem>>
          %dma_wait3A_108 = tpu.memref_squeeze %dma_wait3A_107 : memref<1x64xi32, #tpu.memory_space<vmem>> -> memref<64xi32, #tpu.memory_space<vmem>>
          %dma_wait3A_109 = arith.constant 0 : i32
          %dma_wait3A_110 = arith.constant 0 : i32
          %dma_wait3A_111 = tpu.memref_slice %arg12[%dma_wait3A_109, %dma_wait3A_110] : memref<10112x128xf32, #tpu.memory_space<vmem_shared>> -> memref<10112x128xf32, #tpu.memory_space<vmem_shared>>
          tpu.wait_indirect_dma semaphore(%run_scoped3A : memref<!tpu.dma_semaphore, #tpu.memory_space<semaphore_mem>>) src(%arg10 : memref<64x128xf32, #tpu.memory_space<vmem>>) dst(%dma_wait3A_111 : memref<10112x128xf32, #tpu.memory_space<vmem_shared>>)
          tpu.yield
        }) : () -> ()
      }
      %scan3A_57 = arith.constant 20 : i32
      %dma_wait3A = arith.constant 0 : i32
      %dma_wait3A_58 = arith.constant 0 : i32
      %dma_wait3A_59 = tpu.memref_slice %arg7[%dma_wait3A, %dma_wait3A_58] : memref<40x64xi32, #tpu.memory_space<vmem>> -> memref<1x64xi32, #tpu.memory_space<vmem>>
      %dma_wait3A_60 = tpu.memref_squeeze %dma_wait3A_59 : memref<1x64xi32, #tpu.memory_space<vmem>> -> memref<64xi32, #tpu.memory_space<vmem>>
      %dma_wait3A_61 = arith.constant 0 : i32
      %dma_wait3A_62 = arith.constant 0 : i32
      %dma_wait3A_63 = tpu.memref_slice %arg2[%dma_wait3A_61, %dma_wait3A_62] : memref<40448x128xf32, #tpu.memory_space<hbm>> -> memref<40448x128xf32, #tpu.memory_space<hbm>>
      tpu.wait_indirect_dma semaphore(%arg13 : memref<!tpu.dma_semaphore, #tpu.memory_space<semaphore_mem>>) src(%dma_wait3A_63 : memref<40448x128xf32, #tpu.memory_space<hbm>>) dst(%arg9 : memref<64x128xf32, #tpu.memory_space<vmem>>)
    }
    %scan3A_12 = arith.constant 4 : i32
    %barrier3A_13 = arith.constant 0 : index
    tpu.barrier barrier_id(%barrier3A_13)
    %mul3A_14 = arith.constant 632 : i32
    %mul3A_15 = arith.muli %arg1, %mul3A_14 : i32
    %mul3A_16 = arith.constant 632 : i32
    %mul3A_17 = arith.muli %arg1, %mul3A_16 : i32
    "tpu.region"() ({
      %run_scoped3A = tpu.sem_alloc : memref<!tpu.dma_semaphore, #tpu.memory_space<semaphore_mem>>
      %dma_start3A = arith.constant 0 : i32
      %dma_start3A_42 = tpu.memref_slice %arg6[%add3A_1, %mul3A_17, %dma_start3A] : memref<4x10112x128xf32, #tpu.memory_space<hbm>> -> memref<1x632x128xf32, #tpu.memory_space<hbm>>
      %dma_start3A_43 = tpu.memref_squeeze %dma_start3A_42 : memref<1x632x128xf32, #tpu.memory_space<hbm>> -> memref<632x128xf32, #tpu.memory_space<hbm>>
      %dma_start3A_44 = arith.constant 0 : i32
      %dma_start3A_45 = tpu.memref_slice %arg12[%mul3A_15, %dma_start3A_44] : memref<10112x128xf32, #tpu.memory_space<vmem_shared>> -> memref<632x128xf32, #tpu.memory_space<vmem_shared>>
      tpu.enqueue_dma source(%dma_start3A_45 : memref<632x128xf32, #tpu.memory_space<vmem_shared>>) target(%dma_start3A_43 : memref<632x128xf32, #tpu.memory_space<hbm>>) target_semaphore(%run_scoped3A : memref<!tpu.dma_semaphore, #tpu.memory_space<semaphore_mem>>)
      %dma_wait3A = arith.constant 0 : i32
      %dma_wait3A_46 = tpu.memref_slice %arg6[%add3A_1, %mul3A_17, %dma_wait3A] : memref<4x10112x128xf32, #tpu.memory_space<hbm>> -> memref<1x632x128xf32, #tpu.memory_space<hbm>>
      %dma_wait3A_47 = tpu.memref_squeeze %dma_wait3A_46 : memref<1x632x128xf32, #tpu.memory_space<hbm>> -> memref<632x128xf32, #tpu.memory_space<hbm>>
      %dma_wait3A_48 = arith.constant 0 : i32
      %dma_wait3A_49 = tpu.memref_slice %arg12[%mul3A_15, %dma_wait3A_48] : memref<10112x128xf32, #tpu.memory_space<vmem_shared>> -> memref<632x128xf32, #tpu.memory_space<vmem_shared>>
      tpu.wait_dma2 semaphore(%run_scoped3A : memref<!tpu.dma_semaphore, #tpu.memory_space<semaphore_mem>>) src(%dma_wait3A_49 : memref<632x128xf32, #tpu.memory_space<vmem_shared>>) dst(%dma_wait3A_47 : memref<632x128xf32, #tpu.memory_space<hbm>>)
      tpu.yield
    }) : () -> ()
    %barrier3A_18 = arith.constant 0 : index
    tpu.barrier barrier_id(%barrier3A_18)
    %mul3A_19 = arith.constant 2 : i32
    %mul3A_20 = arith.muli %arg0, %mul3A_19 : i32
    %add3A_21 = arith.constant 1 : i32
    %add3A_22 = arith.addi %mul3A_20, %add3A_21 : i32
    %scan3A_23 = arith.constant 0 : i32
    %scan3A_24 = arith.constant 0 : i32
    %scan3A_25 = arith.constant 79 : i32
    %scan3A_26 = arith.addi %scan3A_24, %scan3A_25 : i32
    %scan3A_27 = arith.constant 1 : i32
    scf.for %scan3A_42 = %scan3A_24 to %scan3A_26 step %scan3A_27  : i32 {
      %mul3A_43 = arith.constant 632 : i32
      %mul3A_44 = arith.muli %arg1, %mul3A_43 : i32
      %mul3A_45 = arith.constant 8 : i32
      %mul3A_46 = arith.muli %scan3A_42, %mul3A_45 : i32
      %add3A_47 = arith.addi %mul3A_44, %mul3A_46 : i32
      "tpu.region"() ({
        %run_scoped3A = tpu.sem_alloc : memref<!tpu.dma_semaphore, #tpu.memory_space<semaphore_mem>>
        %dma_start3A = arith.constant 0 : i32
        %dma_start3A_48 = tpu.memref_slice %arg12[%add3A_47, %dma_start3A] : memref<10112x128xf32, #tpu.memory_space<vmem_shared>> -> memref<8x128xf32, #tpu.memory_space<vmem_shared>>
        %dma_start3A_49 = arith.constant 0 : i32
        %dma_start3A_50 = tpu.memref_slice %arg12[%add3A_47, %dma_start3A_49] : memref<10112x128xf32, #tpu.memory_space<vmem_shared>> -> memref<8x128xf32, #tpu.memory_space<vmem_shared>>
        tpu.enqueue_dma source(%arg11 : memref<8x128xf32, #tpu.memory_space<vmem>>) target(%dma_start3A_50 : memref<8x128xf32, #tpu.memory_space<vmem_shared>>) target_semaphore(%run_scoped3A : memref<!tpu.dma_semaphore, #tpu.memory_space<semaphore_mem>>)
        %dma_wait3A = arith.constant 0 : i32
        %dma_wait3A_51 = tpu.memref_slice %arg12[%add3A_47, %dma_wait3A] : memref<10112x128xf32, #tpu.memory_space<vmem_shared>> -> memref<8x128xf32, #tpu.memory_space<vmem_shared>>
        %dma_wait3A_52 = arith.constant 0 : i32
        %dma_wait3A_53 = tpu.memref_slice %arg12[%add3A_47, %dma_wait3A_52] : memref<10112x128xf32, #tpu.memory_space<vmem_shared>> -> memref<8x128xf32, #tpu.memory_space<vmem_shared>>
        tpu.wait_dma2 semaphore(%run_scoped3A : memref<!tpu.dma_semaphore, #tpu.memory_space<semaphore_mem>>) src(%arg11 : memref<8x128xf32, #tpu.memory_space<vmem>>) dst(%dma_wait3A_53 : memref<8x128xf32, #tpu.memory_space<vmem_shared>>)
        tpu.yield
      }) : () -> ()
    }
    %scan3A_28 = arith.constant 79 : i32
    %barrier3A_29 = arith.constant 0 : index
    tpu.barrier barrier_id(%barrier3A_29)
    %scan3A_30 = arith.constant 0 : i32
    %scan3A_31 = arith.constant 0 : i32
    %scan3A_32 = arith.constant 4 : i32
    %scan3A_33 = arith.addi %scan3A_31, %scan3A_32 : i32
    %scan3A_34 = arith.constant 1 : i32
    scf.for %scan3A_42 = %scan3A_31 to %scan3A_33 step %scan3A_34  : i32 {
      %mul3A_43 = arith.constant 40 : i32
      %mul3A_44 = arith.muli %scan3A_42, %mul3A_43 : i32
      "tpu.region"() ({
        %run_scoped3A = tpu.sem_alloc : memref<!tpu.dma_semaphore, #tpu.memory_space<semaphore_mem>>
        %dma_start3A_64 = arith.constant 0 : i32
        %dma_start3A_65 = tpu.memref_slice %arg3[%add3A_22, %arg1, %mul3A_44, %dma_start3A_64] : memref<4x16x160x64xi32, #tpu.memory_space<hbm>> -> memref<1x1x40x64xi32, #tpu.memory_space<hbm>>
        %dma_start3A_66 = tpu.memref_squeeze %dma_start3A_65 : memref<1x1x40x64xi32, #tpu.memory_space<hbm>> -> memref<40x64xi32, #tpu.memory_space<hbm>>
        %dma_start3A_67 = arith.constant 0 : i32
        %dma_start3A_68 = tpu.memref_slice %arg3[%add3A_22, %arg1, %mul3A_44, %dma_start3A_67] : memref<4x16x160x64xi32, #tpu.memory_space<hbm>> -> memref<1x1x40x64xi32, #tpu.memory_space<hbm>>
        %dma_start3A_69 = tpu.memref_squeeze %dma_start3A_68 : memref<1x1x40x64xi32, #tpu.memory_space<hbm>> -> memref<40x64xi32, #tpu.memory_space<hbm>>
        tpu.enqueue_dma source(%dma_start3A_69 : memref<40x64xi32, #tpu.memory_space<hbm>>) target(%arg7 : memref<40x64xi32, #tpu.memory_space<vmem>>) target_semaphore(%run_scoped3A : memref<!tpu.dma_semaphore, #tpu.memory_space<semaphore_mem>>)
        %dma_wait3A_70 = arith.constant 0 : i32
        %dma_wait3A_71 = tpu.memref_slice %arg3[%add3A_22, %arg1, %mul3A_44, %dma_wait3A_70] : memref<4x16x160x64xi32, #tpu.memory_space<hbm>> -> memref<1x1x40x64xi32, #tpu.memory_space<hbm>>
        %dma_wait3A_72 = tpu.memref_squeeze %dma_wait3A_71 : memref<1x1x40x64xi32, #tpu.memory_space<hbm>> -> memref<40x64xi32, #tpu.memory_space<hbm>>
        %dma_wait3A_73 = arith.constant 0 : i32
        %dma_wait3A_74 = tpu.memref_slice %arg3[%add3A_22, %arg1, %mul3A_44, %dma_wait3A_73] : memref<4x16x160x64xi32, #tpu.memory_space<hbm>> -> memref<1x1x40x64xi32, #tpu.memory_space<hbm>>
        %dma_wait3A_75 = tpu.memref_squeeze %dma_wait3A_74 : memref<1x1x40x64xi32, #tpu.memory_space<hbm>> -> memref<40x64xi32, #tpu.memory_space<hbm>>
        tpu.wait_dma2 semaphore(%run_scoped3A : memref<!tpu.dma_semaphore, #tpu.memory_space<semaphore_mem>>) src(%dma_wait3A_75 : memref<40x64xi32, #tpu.memory_space<hbm>>) dst(%arg7 : memref<40x64xi32, #tpu.memory_space<vmem>>)
        tpu.yield
      }) : () -> ()
      %mul3A_45 = arith.constant 40 : i32
      %mul3A_46 = arith.muli %scan3A_42, %mul3A_45 : i32
      "tpu.region"() ({
        %run_scoped3A = tpu.sem_alloc : memref<!tpu.dma_semaphore, #tpu.memory_space<semaphore_mem>>
        %dma_start3A_64 = arith.constant 0 : i32
        %dma_start3A_65 = tpu.memref_slice %arg4[%arg1, %mul3A_46, %dma_start3A_64] : memref<16x160x64xi32, #tpu.memory_space<hbm>> -> memref<1x40x64xi32, #tpu.memory_space<hbm>>
        %dma_start3A_66 = tpu.memref_squeeze %dma_start3A_65 : memref<1x40x64xi32, #tpu.memory_space<hbm>> -> memref<40x64xi32, #tpu.memory_space<hbm>>
        %dma_start3A_67 = arith.constant 0 : i32
        %dma_start3A_68 = tpu.memref_slice %arg4[%arg1, %mul3A_46, %dma_start3A_67] : memref<16x160x64xi32, #tpu.memory_space<hbm>> -> memref<1x40x64xi32, #tpu.memory_space<hbm>>
        %dma_start3A_69 = tpu.memref_squeeze %dma_start3A_68 : memref<1x40x64xi32, #tpu.memory_space<hbm>> -> memref<40x64xi32, #tpu.memory_space<hbm>>
        tpu.enqueue_dma source(%dma_start3A_69 : memref<40x64xi32, #tpu.memory_space<hbm>>) target(%arg8 : memref<40x64xi32, #tpu.memory_space<vmem>>) target_semaphore(%run_scoped3A : memref<!tpu.dma_semaphore, #tpu.memory_space<semaphore_mem>>)
        %dma_wait3A_70 = arith.constant 0 : i32
        %dma_wait3A_71 = tpu.memref_slice %arg4[%arg1, %mul3A_46, %dma_wait3A_70] : memref<16x160x64xi32, #tpu.memory_space<hbm>> -> memref<1x40x64xi32, #tpu.memory_space<hbm>>
        %dma_wait3A_72 = tpu.memref_squeeze %dma_wait3A_71 : memref<1x40x64xi32, #tpu.memory_space<hbm>> -> memref<40x64xi32, #tpu.memory_space<hbm>>
        %dma_wait3A_73 = arith.constant 0 : i32
        %dma_wait3A_74 = tpu.memref_slice %arg4[%arg1, %mul3A_46, %dma_wait3A_73] : memref<16x160x64xi32, #tpu.memory_space<hbm>> -> memref<1x40x64xi32, #tpu.memory_space<hbm>>
        %dma_wait3A_75 = tpu.memref_squeeze %dma_wait3A_74 : memref<1x40x64xi32, #tpu.memory_space<hbm>> -> memref<40x64xi32, #tpu.memory_space<hbm>>
        tpu.wait_dma2 semaphore(%run_scoped3A : memref<!tpu.dma_semaphore, #tpu.memory_space<semaphore_mem>>) src(%dma_wait3A_75 : memref<40x64xi32, #tpu.memory_space<hbm>>) dst(%arg8 : memref<40x64xi32, #tpu.memory_space<vmem>>)
        tpu.yield
      }) : () -> ()
      %dma_start3A = arith.constant 0 : i32
      %dma_start3A_47 = arith.constant 0 : i32
      %dma_start3A_48 = tpu.memref_slice %arg7[%dma_start3A, %dma_start3A_47] : memref<40x64xi32, #tpu.memory_space<vmem>> -> memref<1x64xi32, #tpu.memory_space<vmem>>
      %dma_start3A_49 = tpu.memref_squeeze %dma_start3A_48 : memref<1x64xi32, #tpu.memory_space<vmem>> -> memref<64xi32, #tpu.memory_space<vmem>>
      %dma_start3A_50 = arith.constant 0 : i32
      %dma_start3A_51 = arith.constant 0 : i32
      %dma_start3A_52 = tpu.memref_slice %arg2[%dma_start3A_50, %dma_start3A_51] : memref<40448x128xf32, #tpu.memory_space<hbm>> -> memref<40448x128xf32, #tpu.memory_space<hbm>>
      tpu.enqueue_indirect_dma source(%dma_start3A_52 : memref<40448x128xf32, #tpu.memory_space<hbm>>) target(%arg9 : memref<64x128xf32, #tpu.memory_space<vmem>>) offsets(%dma_start3A_49 : memref<64xi32, #tpu.memory_space<vmem>>) semaphore(%arg13 : memref<!tpu.dma_semaphore, #tpu.memory_space<semaphore_mem>>)
      %scan3A_53 = arith.constant 0 : i32
      %scan3A_54 = arith.constant 20 : i32
      %scan3A_55 = arith.addi %scan3A_53, %scan3A_54 : i32
      %scan3A_56 = arith.constant 1 : i32
      scf.for %scan3A_64 = %scan3A_53 to %scan3A_55 step %scan3A_56  : i32 {
        %mul3A_65 = arith.constant 2 : i32
        %mul3A_66 = arith.muli %mul3A_65, %scan3A_64 : i32
        %add3A_67 = arith.constant 2 : i32
        %add3A_68 = arith.addi %mul3A_66, %add3A_67 : i32
        %min3A = arith.constant 39 : i32
        %min3A_69 = arith.minsi %add3A_68, %min3A : i32
        %dma_wait3A_70 = arith.constant 0 : i32
        %dma_wait3A_71 = tpu.memref_slice %arg7[%mul3A_66, %dma_wait3A_70] : memref<40x64xi32, #tpu.memory_space<vmem>> -> memref<1x64xi32, #tpu.memory_space<vmem>>
        %dma_wait3A_72 = tpu.memref_squeeze %dma_wait3A_71 : memref<1x64xi32, #tpu.memory_space<vmem>> -> memref<64xi32, #tpu.memory_space<vmem>>
        %dma_wait3A_73 = arith.constant 0 : i32
        %dma_wait3A_74 = arith.constant 0 : i32
        %dma_wait3A_75 = tpu.memref_slice %arg2[%dma_wait3A_73, %dma_wait3A_74] : memref<40448x128xf32, #tpu.memory_space<hbm>> -> memref<40448x128xf32, #tpu.memory_space<hbm>>
        tpu.wait_indirect_dma semaphore(%arg13 : memref<!tpu.dma_semaphore, #tpu.memory_space<semaphore_mem>>) src(%dma_wait3A_75 : memref<40448x128xf32, #tpu.memory_space<hbm>>) dst(%arg9 : memref<64x128xf32, #tpu.memory_space<vmem>>)
        %add3A_76 = arith.constant 1 : i32
        %add3A_77 = arith.addi %mul3A_66, %add3A_76 : i32
        %dma_start3A_78 = arith.constant 0 : i32
        %dma_start3A_79 = tpu.memref_slice %arg7[%add3A_77, %dma_start3A_78] : memref<40x64xi32, #tpu.memory_space<vmem>> -> memref<1x64xi32, #tpu.memory_space<vmem>>
        %dma_start3A_80 = tpu.memref_squeeze %dma_start3A_79 : memref<1x64xi32, #tpu.memory_space<vmem>> -> memref<64xi32, #tpu.memory_space<vmem>>
        %dma_start3A_81 = arith.constant 0 : i32
        %dma_start3A_82 = arith.constant 0 : i32
        %dma_start3A_83 = tpu.memref_slice %arg2[%dma_start3A_81, %dma_start3A_82] : memref<40448x128xf32, #tpu.memory_space<hbm>> -> memref<40448x128xf32, #tpu.memory_space<hbm>>
        tpu.enqueue_indirect_dma source(%dma_start3A_83 : memref<40448x128xf32, #tpu.memory_space<hbm>>) target(%arg10 : memref<64x128xf32, #tpu.memory_space<vmem>>) offsets(%dma_start3A_80 : memref<64xi32, #tpu.memory_space<vmem>>) semaphore(%arg13 : memref<!tpu.dma_semaphore, #tpu.memory_space<semaphore_mem>>)
        "tpu.region"() ({
          %run_scoped3A = tpu.sem_alloc : memref<!tpu.dma_semaphore, #tpu.memory_space<semaphore_mem>>
          %dma_start3A_100 = arith.constant 0 : i32
          %dma_start3A_101 = tpu.memref_slice %arg8[%mul3A_66, %dma_start3A_100] : memref<40x64xi32, #tpu.memory_space<vmem>> -> memref<1x64xi32, #tpu.memory_space<vmem>>
          %dma_start3A_102 = tpu.memref_squeeze %dma_start3A_101 : memref<1x64xi32, #tpu.memory_space<vmem>> -> memref<64xi32, #tpu.memory_space<vmem>>
          %dma_start3A_103 = arith.constant 0 : i32
          %dma_start3A_104 = arith.constant 0 : i32
          %dma_start3A_105 = tpu.memref_slice %arg12[%dma_start3A_103, %dma_start3A_104] : memref<10112x128xf32, #tpu.memory_space<vmem_shared>> -> memref<10112x128xf32, #tpu.memory_space<vmem_shared>>
          tpu.enqueue_indirect_dma source(%arg9 : memref<64x128xf32, #tpu.memory_space<vmem>>) target(%dma_start3A_105 : memref<10112x128xf32, #tpu.memory_space<vmem_shared>>) offsets(%dma_start3A_102 : memref<64xi32, #tpu.memory_space<vmem>>) semaphore(%run_scoped3A : memref<!tpu.dma_semaphore, #tpu.memory_space<semaphore_mem>>) {add = true}
          %dma_wait3A_106 = arith.constant 0 : i32
          %dma_wait3A_107 = tpu.memref_slice %arg8[%mul3A_66, %dma_wait3A_106] : memref<40x64xi32, #tpu.memory_space<vmem>> -> memref<1x64xi32, #tpu.memory_space<vmem>>
          %dma_wait3A_108 = tpu.memref_squeeze %dma_wait3A_107 : memref<1x64xi32, #tpu.memory_space<vmem>> -> memref<64xi32, #tpu.memory_space<vmem>>
          %dma_wait3A_109 = arith.constant 0 : i32
          %dma_wait3A_110 = arith.constant 0 : i32
          %dma_wait3A_111 = tpu.memref_slice %arg12[%dma_wait3A_109, %dma_wait3A_110] : memref<10112x128xf32, #tpu.memory_space<vmem_shared>> -> memref<10112x128xf32, #tpu.memory_space<vmem_shared>>
          tpu.wait_indirect_dma semaphore(%run_scoped3A : memref<!tpu.dma_semaphore, #tpu.memory_space<semaphore_mem>>) src(%arg9 : memref<64x128xf32, #tpu.memory_space<vmem>>) dst(%dma_wait3A_111 : memref<10112x128xf32, #tpu.memory_space<vmem_shared>>)
          tpu.yield
        }) : () -> ()
        %add3A_84 = arith.constant 1 : i32
        %add3A_85 = arith.addi %mul3A_66, %add3A_84 : i32
        %dma_wait3A_86 = arith.constant 0 : i32
        %dma_wait3A_87 = tpu.memref_slice %arg7[%add3A_85, %dma_wait3A_86] : memref<40x64xi32, #tpu.memory_space<vmem>> -> memref<1x64xi32, #tpu.memory_space<vmem>>
        %dma_wait3A_88 = tpu.memref_squeeze %dma_wait3A_87 : memref<1x64xi32, #tpu.memory_space<vmem>> -> memref<64xi32, #tpu.memory_space<vmem>>
        %dma_wait3A_89 = arith.constant 0 : i32
        %dma_wait3A_90 = arith.constant 0 : i32
        %dma_wait3A_91 = tpu.memref_slice %arg2[%dma_wait3A_89, %dma_wait3A_90] : memref<40448x128xf32, #tpu.memory_space<hbm>> -> memref<40448x128xf32, #tpu.memory_space<hbm>>
        tpu.wait_indirect_dma semaphore(%arg13 : memref<!tpu.dma_semaphore, #tpu.memory_space<semaphore_mem>>) src(%dma_wait3A_91 : memref<40448x128xf32, #tpu.memory_space<hbm>>) dst(%arg10 : memref<64x128xf32, #tpu.memory_space<vmem>>)
        %dma_start3A_92 = arith.constant 0 : i32
        %dma_start3A_93 = tpu.memref_slice %arg7[%min3A_69, %dma_start3A_92] : memref<40x64xi32, #tpu.memory_space<vmem>> -> memref<1x64xi32, #tpu.memory_space<vmem>>
        %dma_start3A_94 = tpu.memref_squeeze %dma_start3A_93 : memref<1x64xi32, #tpu.memory_space<vmem>> -> memref<64xi32, #tpu.memory_space<vmem>>
        %dma_start3A_95 = arith.constant 0 : i32
        %dma_start3A_96 = arith.constant 0 : i32
        %dma_start3A_97 = tpu.memref_slice %arg2[%dma_start3A_95, %dma_start3A_96] : memref<40448x128xf32, #tpu.memory_space<hbm>> -> memref<40448x128xf32, #tpu.memory_space<hbm>>
        tpu.enqueue_indirect_dma source(%dma_start3A_97 : memref<40448x128xf32, #tpu.memory_space<hbm>>) target(%arg9 : memref<64x128xf32, #tpu.memory_space<vmem>>) offsets(%dma_start3A_94 : memref<64xi32, #tpu.memory_space<vmem>>) semaphore(%arg13 : memref<!tpu.dma_semaphore, #tpu.memory_space<semaphore_mem>>)
        %add3A_98 = arith.constant 1 : i32
        %add3A_99 = arith.addi %mul3A_66, %add3A_98 : i32
        "tpu.region"() ({
          %run_scoped3A = tpu.sem_alloc : memref<!tpu.dma_semaphore, #tpu.memory_space<semaphore_mem>>
          %dma_start3A_100 = arith.constant 0 : i32
          %dma_start3A_101 = tpu.memref_slice %arg8[%add3A_99, %dma_start3A_100] : memref<40x64xi32, #tpu.memory_space<vmem>> -> memref<1x64xi32, #tpu.memory_space<vmem>>
          %dma_start3A_102 = tpu.memref_squeeze %dma_start3A_101 : memref<1x64xi32, #tpu.memory_space<vmem>> -> memref<64xi32, #tpu.memory_space<vmem>>
          %dma_start3A_103 = arith.constant 0 : i32
          %dma_start3A_104 = arith.constant 0 : i32
          %dma_start3A_105 = tpu.memref_slice %arg12[%dma_start3A_103, %dma_start3A_104] : memref<10112x128xf32, #tpu.memory_space<vmem_shared>> -> memref<10112x128xf32, #tpu.memory_space<vmem_shared>>
          tpu.enqueue_indirect_dma source(%arg10 : memref<64x128xf32, #tpu.memory_space<vmem>>) target(%dma_start3A_105 : memref<10112x128xf32, #tpu.memory_space<vmem_shared>>) offsets(%dma_start3A_102 : memref<64xi32, #tpu.memory_space<vmem>>) semaphore(%run_scoped3A : memref<!tpu.dma_semaphore, #tpu.memory_space<semaphore_mem>>) {add = true}
          %dma_wait3A_106 = arith.constant 0 : i32
          %dma_wait3A_107 = tpu.memref_slice %arg8[%add3A_99, %dma_wait3A_106] : memref<40x64xi32, #tpu.memory_space<vmem>> -> memref<1x64xi32, #tpu.memory_space<vmem>>
          %dma_wait3A_108 = tpu.memref_squeeze %dma_wait3A_107 : memref<1x64xi32, #tpu.memory_space<vmem>> -> memref<64xi32, #tpu.memory_space<vmem>>
          %dma_wait3A_109 = arith.constant 0 : i32
          %dma_wait3A_110 = arith.constant 0 : i32
          %dma_wait3A_111 = tpu.memref_slice %arg12[%dma_wait3A_109, %dma_wait3A_110] : memref<10112x128xf32, #tpu.memory_space<vmem_shared>> -> memref<10112x128xf32, #tpu.memory_space<vmem_shared>>
          tpu.wait_indirect_dma semaphore(%run_scoped3A : memref<!tpu.dma_semaphore, #tpu.memory_space<semaphore_mem>>) src(%arg10 : memref<64x128xf32, #tpu.memory_space<vmem>>) dst(%dma_wait3A_111 : memref<10112x128xf32, #tpu.memory_space<vmem_shared>>)
          tpu.yield
        }) : () -> ()
      }
      %scan3A_57 = arith.constant 20 : i32
      %dma_wait3A = arith.constant 0 : i32
      %dma_wait3A_58 = arith.constant 0 : i32
      %dma_wait3A_59 = tpu.memref_slice %arg7[%dma_wait3A, %dma_wait3A_58] : memref<40x64xi32, #tpu.memory_space<vmem>> -> memref<1x64xi32, #tpu.memory_space<vmem>>
      %dma_wait3A_60 = tpu.memref_squeeze %dma_wait3A_59 : memref<1x64xi32, #tpu.memory_space<vmem>> -> memref<64xi32, #tpu.memory_space<vmem>>
      %dma_wait3A_61 = arith.constant 0 : i32
      %dma_wait3A_62 = arith.constant 0 : i32
      %dma_wait3A_63 = tpu.memref_slice %arg2[%dma_wait3A_61, %dma_wait3A_62] : memref<40448x128xf32, #tpu.memory_space<hbm>> -> memref<40448x128xf32, #tpu.memory_space<hbm>>
      tpu.wait_indirect_dma semaphore(%arg13 : memref<!tpu.dma_semaphore, #tpu.memory_space<semaphore_mem>>) src(%dma_wait3A_63 : memref<40448x128xf32, #tpu.memory_space<hbm>>) dst(%arg9 : memref<64x128xf32, #tpu.memory_space<vmem>>)
    }
    %scan3A_35 = arith.constant 4 : i32
    %barrier3A_36 = arith.constant 0 : index
    tpu.barrier barrier_id(%barrier3A_36)
    %mul3A_37 = arith.constant 632 : i32
    %mul3A_38 = arith.muli %arg1, %mul3A_37 : i32
    %mul3A_39 = arith.constant 632 : i32
    %mul3A_40 = arith.muli %arg1, %mul3A_39 : i32
    "tpu.region"() ({
      %run_scoped3A = tpu.sem_alloc : memref<!tpu.dma_semaphore, #tpu.memory_space<semaphore_mem>>
      %dma_start3A = arith.constant 0 : i32
      %dma_start3A_42 = tpu.memref_slice %arg6[%add3A_22, %mul3A_40, %dma_start3A] : memref<4x10112x128xf32, #tpu.memory_space<hbm>> -> memref<1x632x128xf32, #tpu.memory_space<hbm>>
      %dma_start3A_43 = tpu.memref_squeeze %dma_start3A_42 : memref<1x632x128xf32, #tpu.memory_space<hbm>> -> memref<632x128xf32, #tpu.memory_space<hbm>>
      %dma_start3A_44 = arith.constant 0 : i32
      %dma_start3A_45 = tpu.memref_slice %arg12[%mul3A_38, %dma_start3A_44] : memref<10112x128xf32, #tpu.memory_space<vmem_shared>> -> memref<632x128xf32, #tpu.memory_space<vmem_shared>>
      tpu.enqueue_dma source(%dma_start3A_45 : memref<632x128xf32, #tpu.memory_space<vmem_shared>>) target(%dma_start3A_43 : memref<632x128xf32, #tpu.memory_space<hbm>>) target_semaphore(%run_scoped3A : memref<!tpu.dma_semaphore, #tpu.memory_space<semaphore_mem>>)
      %dma_wait3A = arith.constant 0 : i32
      %dma_wait3A_46 = tpu.memref_slice %arg6[%add3A_22, %mul3A_40, %dma_wait3A] : memref<4x10112x128xf32, #tpu.memory_space<hbm>> -> memref<1x632x128xf32, #tpu.memory_space<hbm>>
      %dma_wait3A_47 = tpu.memref_squeeze %dma_wait3A_46 : memref<1x632x128xf32, #tpu.memory_space<hbm>> -> memref<632x128xf32, #tpu.memory_space<hbm>>
      %dma_wait3A_48 = arith.constant 0 : i32
      %dma_wait3A_49 = tpu.memref_slice %arg12[%mul3A_38, %dma_wait3A_48] : memref<10112x128xf32, #tpu.memory_space<vmem_shared>> -> memref<632x128xf32, #tpu.memory_space<vmem_shared>>
      tpu.wait_dma2 semaphore(%run_scoped3A : memref<!tpu.dma_semaphore, #tpu.memory_space<semaphore_mem>>) src(%dma_wait3A_49 : memref<632x128xf32, #tpu.memory_space<vmem_shared>>) dst(%dma_wait3A_47 : memref<632x128xf32, #tpu.memory_space<hbm>>)
      tpu.yield
    }) : () -> ()
    %barrier3A_41 = arith.constant 0 : index
    tpu.barrier barrier_id(%barrier3A_41)
    return
  }
}

#map = affine_map<(d0, d1) -> (0, 0)>
#map1 = affine_map<(d0, d1) -> (0, 0, 0, 0)>
#map2 = affine_map<(d0, d1) -> (0, 0, 0)>
module attributes {stable_mosaic.version = 14 : i64} {
  func.func @body(%arg0: i32, %arg1: i32, %arg2: memref<20000x128xf32, #tpu.memory_space<hbm>>, %arg3: memref<2x16x160x64xi32, #tpu.memory_space<hbm>>, %arg4: memref<16x160x64xi32, #tpu.memory_space<hbm>>, %arg5: memref<8x128xf32, #tpu.memory_space<hbm>>, %arg6: memref<2x10112x128xf32, #tpu.memory_space<hbm>>, %arg7: memref<40x64xi32, #tpu.memory_space<vmem>>, %arg8: memref<40x64xi32, #tpu.memory_space<vmem>>, %arg9: memref<64x128xf32, #tpu.memory_space<vmem>>, %arg10: memref<64x128xf32, #tpu.memory_space<vmem>>, %arg11: memref<8x128xf32, #tpu.memory_space<vmem>>, %arg12: memref<10112x128xf32, #tpu.memory_space<vmem_shared>>, %arg13: memref<!tpu.dma_semaphore, #tpu.memory_space<semaphore_mem>>) attributes {dimension_semantics = [#tpu.dimension_semantics<core_parallel>, #tpu.dimension_semantics<subcore_parallel>], iteration_bounds = array<i64: 2, 16>, scalar_prefetch = 0 : i64, scratch_operands = 7 : i64, tpu.core_type = #tpu.core_type<sc_vector_subcore>, window_params = [{transform_indices = #map}, {transform_indices = #map1}, {transform_indices = #map2}, {transform_indices = #map}, {transform_indices = #map2}]} {
    "tpu.region"() ({
      %run_scoped3A = tpu.sem_alloc : memref<!tpu.dma_semaphore, #tpu.memory_space<semaphore_mem>>
      tpu.enqueue_dma source(%arg5 : memref<8x128xf32, #tpu.memory_space<hbm>>) target(%arg11 : memref<8x128xf32, #tpu.memory_space<vmem>>) target_semaphore(%run_scoped3A : memref<!tpu.dma_semaphore, #tpu.memory_space<semaphore_mem>>)
      tpu.wait_dma2 semaphore(%run_scoped3A : memref<!tpu.dma_semaphore, #tpu.memory_space<semaphore_mem>>) src(%arg5 : memref<8x128xf32, #tpu.memory_space<hbm>>) dst(%arg11 : memref<8x128xf32, #tpu.memory_space<vmem>>)
      tpu.yield
    }) : () -> ()
    %mul3A = arith.constant 1 : i32
    %mul3A_0 = arith.muli %arg0, %mul3A : i32
    %add3A = arith.constant 0 : i32
    %add3A_1 = arith.addi %mul3A_0, %add3A : i32
    %scan3A = arith.constant 0 : i32
    %scan3A_2 = arith.constant 0 : i32
    %scan3A_3 = arith.constant 79 : i32
    %scan3A_4 = arith.addi %scan3A_2, %scan3A_3 : i32
    %scan3A_5 = arith.constant 1 : i32
    scf.for %scan3A_19 = %scan3A_2 to %scan3A_4 step %scan3A_5  : i32 {
      %mul3A_20 = arith.constant 632 : i32
      %mul3A_21 = arith.muli %arg1, %mul3A_20 : i32
      %mul3A_22 = arith.constant 8 : i32
      %mul3A_23 = arith.muli %scan3A_19, %mul3A_22 : i32
      %add3A_24 = arith.addi %mul3A_21, %mul3A_23 : i32
      "tpu.region"() ({
        %run_scoped3A = tpu.sem_alloc : memref<!tpu.dma_semaphore, #tpu.memory_space<semaphore_mem>>
        %dma_start3A = arith.constant 0 : i32
        %dma_start3A_25 = tpu.memref_slice %arg12[%add3A_24, %dma_start3A] : memref<10112x128xf32, #tpu.memory_space<vmem_shared>> -> memref<8x128xf32, #tpu.memory_space<vmem_shared>>
        %dma_start3A_26 = arith.constant 0 : i32
        %dma_start3A_27 = tpu.memref_slice %arg12[%add3A_24, %dma_start3A_26] : memref<10112x128xf32, #tpu.memory_space<vmem_shared>> -> memref<8x128xf32, #tpu.memory_space<vmem_shared>>
        tpu.enqueue_dma source(%arg11 : memref<8x128xf32, #tpu.memory_space<vmem>>) target(%dma_start3A_27 : memref<8x128xf32, #tpu.memory_space<vmem_shared>>) target_semaphore(%run_scoped3A : memref<!tpu.dma_semaphore, #tpu.memory_space<semaphore_mem>>)
        %dma_wait3A = arith.constant 0 : i32
        %dma_wait3A_28 = tpu.memref_slice %arg12[%add3A_24, %dma_wait3A] : memref<10112x128xf32, #tpu.memory_space<vmem_shared>> -> memref<8x128xf32, #tpu.memory_space<vmem_shared>>
        %dma_wait3A_29 = arith.constant 0 : i32
        %dma_wait3A_30 = tpu.memref_slice %arg12[%add3A_24, %dma_wait3A_29] : memref<10112x128xf32, #tpu.memory_space<vmem_shared>> -> memref<8x128xf32, #tpu.memory_space<vmem_shared>>
        tpu.wait_dma2 semaphore(%run_scoped3A : memref<!tpu.dma_semaphore, #tpu.memory_space<semaphore_mem>>) src(%arg11 : memref<8x128xf32, #tpu.memory_space<vmem>>) dst(%dma_wait3A_30 : memref<8x128xf32, #tpu.memory_space<vmem_shared>>)
        tpu.yield
      }) : () -> ()
    }
    %scan3A_6 = arith.constant 79 : i32
    %barrier3A = arith.constant 0 : index
    tpu.barrier barrier_id(%barrier3A)
    %scan3A_7 = arith.constant 0 : i32
    %scan3A_8 = arith.constant 0 : i32
    %scan3A_9 = arith.constant 4 : i32
    %scan3A_10 = arith.addi %scan3A_8, %scan3A_9 : i32
    %scan3A_11 = arith.constant 1 : i32
    scf.for %scan3A_19 = %scan3A_8 to %scan3A_10 step %scan3A_11  : i32 {
      %mul3A_20 = arith.constant 40 : i32
      %mul3A_21 = arith.muli %scan3A_19, %mul3A_20 : i32
      "tpu.region"() ({
        %run_scoped3A = tpu.sem_alloc : memref<!tpu.dma_semaphore, #tpu.memory_space<semaphore_mem>>
        %dma_start3A_41 = arith.constant 0 : i32
        %dma_start3A_42 = tpu.memref_slice %arg3[%add3A_1, %arg1, %mul3A_21, %dma_start3A_41] : memref<2x16x160x64xi32, #tpu.memory_space<hbm>> -> memref<1x1x40x64xi32, #tpu.memory_space<hbm>>
        %dma_start3A_43 = tpu.memref_squeeze %dma_start3A_42 : memref<1x1x40x64xi32, #tpu.memory_space<hbm>> -> memref<40x64xi32, #tpu.memory_space<hbm>>
        %dma_start3A_44 = arith.constant 0 : i32
        %dma_start3A_45 = tpu.memref_slice %arg3[%add3A_1, %arg1, %mul3A_21, %dma_start3A_44] : memref<2x16x160x64xi32, #tpu.memory_space<hbm>> -> memref<1x1x40x64xi32, #tpu.memory_space<hbm>>
        %dma_start3A_46 = tpu.memref_squeeze %dma_start3A_45 : memref<1x1x40x64xi32, #tpu.memory_space<hbm>> -> memref<40x64xi32, #tpu.memory_space<hbm>>
        tpu.enqueue_dma source(%dma_start3A_46 : memref<40x64xi32, #tpu.memory_space<hbm>>) target(%arg7 : memref<40x64xi32, #tpu.memory_space<vmem>>) target_semaphore(%run_scoped3A : memref<!tpu.dma_semaphore, #tpu.memory_space<semaphore_mem>>)
        %dma_wait3A_47 = arith.constant 0 : i32
        %dma_wait3A_48 = tpu.memref_slice %arg3[%add3A_1, %arg1, %mul3A_21, %dma_wait3A_47] : memref<2x16x160x64xi32, #tpu.memory_space<hbm>> -> memref<1x1x40x64xi32, #tpu.memory_space<hbm>>
        %dma_wait3A_49 = tpu.memref_squeeze %dma_wait3A_48 : memref<1x1x40x64xi32, #tpu.memory_space<hbm>> -> memref<40x64xi32, #tpu.memory_space<hbm>>
        %dma_wait3A_50 = arith.constant 0 : i32
        %dma_wait3A_51 = tpu.memref_slice %arg3[%add3A_1, %arg1, %mul3A_21, %dma_wait3A_50] : memref<2x16x160x64xi32, #tpu.memory_space<hbm>> -> memref<1x1x40x64xi32, #tpu.memory_space<hbm>>
        %dma_wait3A_52 = tpu.memref_squeeze %dma_wait3A_51 : memref<1x1x40x64xi32, #tpu.memory_space<hbm>> -> memref<40x64xi32, #tpu.memory_space<hbm>>
        tpu.wait_dma2 semaphore(%run_scoped3A : memref<!tpu.dma_semaphore, #tpu.memory_space<semaphore_mem>>) src(%dma_wait3A_52 : memref<40x64xi32, #tpu.memory_space<hbm>>) dst(%arg7 : memref<40x64xi32, #tpu.memory_space<vmem>>)
        tpu.yield
      }) : () -> ()
      %mul3A_22 = arith.constant 40 : i32
      %mul3A_23 = arith.muli %scan3A_19, %mul3A_22 : i32
      "tpu.region"() ({
        %run_scoped3A = tpu.sem_alloc : memref<!tpu.dma_semaphore, #tpu.memory_space<semaphore_mem>>
        %dma_start3A_41 = arith.constant 0 : i32
        %dma_start3A_42 = tpu.memref_slice %arg4[%arg1, %mul3A_23, %dma_start3A_41] : memref<16x160x64xi32, #tpu.memory_space<hbm>> -> memref<1x40x64xi32, #tpu.memory_space<hbm>>
        %dma_start3A_43 = tpu.memref_squeeze %dma_start3A_42 : memref<1x40x64xi32, #tpu.memory_space<hbm>> -> memref<40x64xi32, #tpu.memory_space<hbm>>
        %dma_start3A_44 = arith.constant 0 : i32
        %dma_start3A_45 = tpu.memref_slice %arg4[%arg1, %mul3A_23, %dma_start3A_44] : memref<16x160x64xi32, #tpu.memory_space<hbm>> -> memref<1x40x64xi32, #tpu.memory_space<hbm>>
        %dma_start3A_46 = tpu.memref_squeeze %dma_start3A_45 : memref<1x40x64xi32, #tpu.memory_space<hbm>> -> memref<40x64xi32, #tpu.memory_space<hbm>>
        tpu.enqueue_dma source(%dma_start3A_46 : memref<40x64xi32, #tpu.memory_space<hbm>>) target(%arg8 : memref<40x64xi32, #tpu.memory_space<vmem>>) target_semaphore(%run_scoped3A : memref<!tpu.dma_semaphore, #tpu.memory_space<semaphore_mem>>)
        %dma_wait3A_47 = arith.constant 0 : i32
        %dma_wait3A_48 = tpu.memref_slice %arg4[%arg1, %mul3A_23, %dma_wait3A_47] : memref<16x160x64xi32, #tpu.memory_space<hbm>> -> memref<1x40x64xi32, #tpu.memory_space<hbm>>
        %dma_wait3A_49 = tpu.memref_squeeze %dma_wait3A_48 : memref<1x40x64xi32, #tpu.memory_space<hbm>> -> memref<40x64xi32, #tpu.memory_space<hbm>>
        %dma_wait3A_50 = arith.constant 0 : i32
        %dma_wait3A_51 = tpu.memref_slice %arg4[%arg1, %mul3A_23, %dma_wait3A_50] : memref<16x160x64xi32, #tpu.memory_space<hbm>> -> memref<1x40x64xi32, #tpu.memory_space<hbm>>
        %dma_wait3A_52 = tpu.memref_squeeze %dma_wait3A_51 : memref<1x40x64xi32, #tpu.memory_space<hbm>> -> memref<40x64xi32, #tpu.memory_space<hbm>>
        tpu.wait_dma2 semaphore(%run_scoped3A : memref<!tpu.dma_semaphore, #tpu.memory_space<semaphore_mem>>) src(%dma_wait3A_52 : memref<40x64xi32, #tpu.memory_space<hbm>>) dst(%arg8 : memref<40x64xi32, #tpu.memory_space<vmem>>)
        tpu.yield
      }) : () -> ()
      %dma_start3A = arith.constant 0 : i32
      %dma_start3A_24 = arith.constant 0 : i32
      %dma_start3A_25 = tpu.memref_slice %arg7[%dma_start3A, %dma_start3A_24] : memref<40x64xi32, #tpu.memory_space<vmem>> -> memref<1x64xi32, #tpu.memory_space<vmem>>
      %dma_start3A_26 = tpu.memref_squeeze %dma_start3A_25 : memref<1x64xi32, #tpu.memory_space<vmem>> -> memref<64xi32, #tpu.memory_space<vmem>>
      %dma_start3A_27 = arith.constant 0 : i32
      %dma_start3A_28 = arith.constant 0 : i32
      %dma_start3A_29 = tpu.memref_slice %arg2[%dma_start3A_27, %dma_start3A_28] : memref<20000x128xf32, #tpu.memory_space<hbm>> -> memref<20000x128xf32, #tpu.memory_space<hbm>>
      tpu.enqueue_indirect_dma source(%dma_start3A_29 : memref<20000x128xf32, #tpu.memory_space<hbm>>) target(%arg9 : memref<64x128xf32, #tpu.memory_space<vmem>>) offsets(%dma_start3A_26 : memref<64xi32, #tpu.memory_space<vmem>>) semaphore(%arg13 : memref<!tpu.dma_semaphore, #tpu.memory_space<semaphore_mem>>)
      %scan3A_30 = arith.constant 0 : i32
      %scan3A_31 = arith.constant 20 : i32
      %scan3A_32 = arith.addi %scan3A_30, %scan3A_31 : i32
      %scan3A_33 = arith.constant 1 : i32
      scf.for %scan3A_41 = %scan3A_30 to %scan3A_32 step %scan3A_33  : i32 {
        %mul3A_42 = arith.constant 2 : i32
        %mul3A_43 = arith.muli %mul3A_42, %scan3A_41 : i32
        %add3A_44 = arith.constant 2 : i32
        %add3A_45 = arith.addi %mul3A_43, %add3A_44 : i32
        %min3A = arith.constant 39 : i32
        %min3A_46 = arith.minsi %add3A_45, %min3A : i32
        %dma_wait3A_47 = arith.constant 0 : i32
        %dma_wait3A_48 = tpu.memref_slice %arg7[%mul3A_43, %dma_wait3A_47] : memref<40x64xi32, #tpu.memory_space<vmem>> -> memref<1x64xi32, #tpu.memory_space<vmem>>
        %dma_wait3A_49 = tpu.memref_squeeze %dma_wait3A_48 : memref<1x64xi32, #tpu.memory_space<vmem>> -> memref<64xi32, #tpu.memory_space<vmem>>
        %dma_wait3A_50 = arith.constant 0 : i32
        %dma_wait3A_51 = arith.constant 0 : i32
        %dma_wait3A_52 = tpu.memref_slice %arg2[%dma_wait3A_50, %dma_wait3A_51] : memref<20000x128xf32, #tpu.memory_space<hbm>> -> memref<20000x128xf32, #tpu.memory_space<hbm>>
        tpu.wait_indirect_dma semaphore(%arg13 : memref<!tpu.dma_semaphore, #tpu.memory_space<semaphore_mem>>) src(%dma_wait3A_52 : memref<20000x128xf32, #tpu.memory_space<hbm>>) dst(%arg9 : memref<64x128xf32, #tpu.memory_space<vmem>>)
        %add3A_53 = arith.constant 1 : i32
        %add3A_54 = arith.addi %mul3A_43, %add3A_53 : i32
        %dma_start3A_55 = arith.constant 0 : i32
        %dma_start3A_56 = tpu.memref_slice %arg7[%add3A_54, %dma_start3A_55] : memref<40x64xi32, #tpu.memory_space<vmem>> -> memref<1x64xi32, #tpu.memory_space<vmem>>
        %dma_start3A_57 = tpu.memref_squeeze %dma_start3A_56 : memref<1x64xi32, #tpu.memory_space<vmem>> -> memref<64xi32, #tpu.memory_space<vmem>>
        %dma_start3A_58 = arith.constant 0 : i32
        %dma_start3A_59 = arith.constant 0 : i32
        %dma_start3A_60 = tpu.memref_slice %arg2[%dma_start3A_58, %dma_start3A_59] : memref<20000x128xf32, #tpu.memory_space<hbm>> -> memref<20000x128xf32, #tpu.memory_space<hbm>>
        tpu.enqueue_indirect_dma source(%dma_start3A_60 : memref<20000x128xf32, #tpu.memory_space<hbm>>) target(%arg10 : memref<64x128xf32, #tpu.memory_space<vmem>>) offsets(%dma_start3A_57 : memref<64xi32, #tpu.memory_space<vmem>>) semaphore(%arg13 : memref<!tpu.dma_semaphore, #tpu.memory_space<semaphore_mem>>)
        "tpu.region"() ({
          %run_scoped3A = tpu.sem_alloc : memref<!tpu.dma_semaphore, #tpu.memory_space<semaphore_mem>>
          %dma_start3A_77 = arith.constant 0 : i32
          %dma_start3A_78 = tpu.memref_slice %arg8[%mul3A_43, %dma_start3A_77] : memref<40x64xi32, #tpu.memory_space<vmem>> -> memref<1x64xi32, #tpu.memory_space<vmem>>
          %dma_start3A_79 = tpu.memref_squeeze %dma_start3A_78 : memref<1x64xi32, #tpu.memory_space<vmem>> -> memref<64xi32, #tpu.memory_space<vmem>>
          %dma_start3A_80 = arith.constant 0 : i32
          %dma_start3A_81 = arith.constant 0 : i32
          %dma_start3A_82 = tpu.memref_slice %arg12[%dma_start3A_80, %dma_start3A_81] : memref<10112x128xf32, #tpu.memory_space<vmem_shared>> -> memref<10112x128xf32, #tpu.memory_space<vmem_shared>>
          tpu.enqueue_indirect_dma source(%arg9 : memref<64x128xf32, #tpu.memory_space<vmem>>) target(%dma_start3A_82 : memref<10112x128xf32, #tpu.memory_space<vmem_shared>>) offsets(%dma_start3A_79 : memref<64xi32, #tpu.memory_space<vmem>>) semaphore(%run_scoped3A : memref<!tpu.dma_semaphore, #tpu.memory_space<semaphore_mem>>) {add = true}
          %dma_wait3A_83 = arith.constant 0 : i32
          %dma_wait3A_84 = tpu.memref_slice %arg8[%mul3A_43, %dma_wait3A_83] : memref<40x64xi32, #tpu.memory_space<vmem>> -> memref<1x64xi32, #tpu.memory_space<vmem>>
          %dma_wait3A_85 = tpu.memref_squeeze %dma_wait3A_84 : memref<1x64xi32, #tpu.memory_space<vmem>> -> memref<64xi32, #tpu.memory_space<vmem>>
          %dma_wait3A_86 = arith.constant 0 : i32
          %dma_wait3A_87 = arith.constant 0 : i32
          %dma_wait3A_88 = tpu.memref_slice %arg12[%dma_wait3A_86, %dma_wait3A_87] : memref<10112x128xf32, #tpu.memory_space<vmem_shared>> -> memref<10112x128xf32, #tpu.memory_space<vmem_shared>>
          tpu.wait_indirect_dma semaphore(%run_scoped3A : memref<!tpu.dma_semaphore, #tpu.memory_space<semaphore_mem>>) src(%arg9 : memref<64x128xf32, #tpu.memory_space<vmem>>) dst(%dma_wait3A_88 : memref<10112x128xf32, #tpu.memory_space<vmem_shared>>)
          tpu.yield
        }) : () -> ()
        %add3A_61 = arith.constant 1 : i32
        %add3A_62 = arith.addi %mul3A_43, %add3A_61 : i32
        %dma_wait3A_63 = arith.constant 0 : i32
        %dma_wait3A_64 = tpu.memref_slice %arg7[%add3A_62, %dma_wait3A_63] : memref<40x64xi32, #tpu.memory_space<vmem>> -> memref<1x64xi32, #tpu.memory_space<vmem>>
        %dma_wait3A_65 = tpu.memref_squeeze %dma_wait3A_64 : memref<1x64xi32, #tpu.memory_space<vmem>> -> memref<64xi32, #tpu.memory_space<vmem>>
        %dma_wait3A_66 = arith.constant 0 : i32
        %dma_wait3A_67 = arith.constant 0 : i32
        %dma_wait3A_68 = tpu.memref_slice %arg2[%dma_wait3A_66, %dma_wait3A_67] : memref<20000x128xf32, #tpu.memory_space<hbm>> -> memref<20000x128xf32, #tpu.memory_space<hbm>>
        tpu.wait_indirect_dma semaphore(%arg13 : memref<!tpu.dma_semaphore, #tpu.memory_space<semaphore_mem>>) src(%dma_wait3A_68 : memref<20000x128xf32, #tpu.memory_space<hbm>>) dst(%arg10 : memref<64x128xf32, #tpu.memory_space<vmem>>)
        %dma_start3A_69 = arith.constant 0 : i32
        %dma_start3A_70 = tpu.memref_slice %arg7[%min3A_46, %dma_start3A_69] : memref<40x64xi32, #tpu.memory_space<vmem>> -> memref<1x64xi32, #tpu.memory_space<vmem>>
        %dma_start3A_71 = tpu.memref_squeeze %dma_start3A_70 : memref<1x64xi32, #tpu.memory_space<vmem>> -> memref<64xi32, #tpu.memory_space<vmem>>
        %dma_start3A_72 = arith.constant 0 : i32
        %dma_start3A_73 = arith.constant 0 : i32
        %dma_start3A_74 = tpu.memref_slice %arg2[%dma_start3A_72, %dma_start3A_73] : memref<20000x128xf32, #tpu.memory_space<hbm>> -> memref<20000x128xf32, #tpu.memory_space<hbm>>
        tpu.enqueue_indirect_dma source(%dma_start3A_74 : memref<20000x128xf32, #tpu.memory_space<hbm>>) target(%arg9 : memref<64x128xf32, #tpu.memory_space<vmem>>) offsets(%dma_start3A_71 : memref<64xi32, #tpu.memory_space<vmem>>) semaphore(%arg13 : memref<!tpu.dma_semaphore, #tpu.memory_space<semaphore_mem>>)
        %add3A_75 = arith.constant 1 : i32
        %add3A_76 = arith.addi %mul3A_43, %add3A_75 : i32
        "tpu.region"() ({
          %run_scoped3A = tpu.sem_alloc : memref<!tpu.dma_semaphore, #tpu.memory_space<semaphore_mem>>
          %dma_start3A_77 = arith.constant 0 : i32
          %dma_start3A_78 = tpu.memref_slice %arg8[%add3A_76, %dma_start3A_77] : memref<40x64xi32, #tpu.memory_space<vmem>> -> memref<1x64xi32, #tpu.memory_space<vmem>>
          %dma_start3A_79 = tpu.memref_squeeze %dma_start3A_78 : memref<1x64xi32, #tpu.memory_space<vmem>> -> memref<64xi32, #tpu.memory_space<vmem>>
          %dma_start3A_80 = arith.constant 0 : i32
          %dma_start3A_81 = arith.constant 0 : i32
          %dma_start3A_82 = tpu.memref_slice %arg12[%dma_start3A_80, %dma_start3A_81] : memref<10112x128xf32, #tpu.memory_space<vmem_shared>> -> memref<10112x128xf32, #tpu.memory_space<vmem_shared>>
          tpu.enqueue_indirect_dma source(%arg10 : memref<64x128xf32, #tpu.memory_space<vmem>>) target(%dma_start3A_82 : memref<10112x128xf32, #tpu.memory_space<vmem_shared>>) offsets(%dma_start3A_79 : memref<64xi32, #tpu.memory_space<vmem>>) semaphore(%run_scoped3A : memref<!tpu.dma_semaphore, #tpu.memory_space<semaphore_mem>>) {add = true}
          %dma_wait3A_83 = arith.constant 0 : i32
          %dma_wait3A_84 = tpu.memref_slice %arg8[%add3A_76, %dma_wait3A_83] : memref<40x64xi32, #tpu.memory_space<vmem>> -> memref<1x64xi32, #tpu.memory_space<vmem>>
          %dma_wait3A_85 = tpu.memref_squeeze %dma_wait3A_84 : memref<1x64xi32, #tpu.memory_space<vmem>> -> memref<64xi32, #tpu.memory_space<vmem>>
          %dma_wait3A_86 = arith.constant 0 : i32
          %dma_wait3A_87 = arith.constant 0 : i32
          %dma_wait3A_88 = tpu.memref_slice %arg12[%dma_wait3A_86, %dma_wait3A_87] : memref<10112x128xf32, #tpu.memory_space<vmem_shared>> -> memref<10112x128xf32, #tpu.memory_space<vmem_shared>>
          tpu.wait_indirect_dma semaphore(%run_scoped3A : memref<!tpu.dma_semaphore, #tpu.memory_space<semaphore_mem>>) src(%arg10 : memref<64x128xf32, #tpu.memory_space<vmem>>) dst(%dma_wait3A_88 : memref<10112x128xf32, #tpu.memory_space<vmem_shared>>)
          tpu.yield
        }) : () -> ()
      }
      %scan3A_34 = arith.constant 20 : i32
      %dma_wait3A = arith.constant 0 : i32
      %dma_wait3A_35 = arith.constant 0 : i32
      %dma_wait3A_36 = tpu.memref_slice %arg7[%dma_wait3A, %dma_wait3A_35] : memref<40x64xi32, #tpu.memory_space<vmem>> -> memref<1x64xi32, #tpu.memory_space<vmem>>
      %dma_wait3A_37 = tpu.memref_squeeze %dma_wait3A_36 : memref<1x64xi32, #tpu.memory_space<vmem>> -> memref<64xi32, #tpu.memory_space<vmem>>
      %dma_wait3A_38 = arith.constant 0 : i32
      %dma_wait3A_39 = arith.constant 0 : i32
      %dma_wait3A_40 = tpu.memref_slice %arg2[%dma_wait3A_38, %dma_wait3A_39] : memref<20000x128xf32, #tpu.memory_space<hbm>> -> memref<20000x128xf32, #tpu.memory_space<hbm>>
      tpu.wait_indirect_dma semaphore(%arg13 : memref<!tpu.dma_semaphore, #tpu.memory_space<semaphore_mem>>) src(%dma_wait3A_40 : memref<20000x128xf32, #tpu.memory_space<hbm>>) dst(%arg9 : memref<64x128xf32, #tpu.memory_space<vmem>>)
    }
    %scan3A_12 = arith.constant 4 : i32
    %barrier3A_13 = arith.constant 0 : index
    tpu.barrier barrier_id(%barrier3A_13)
    %mul3A_14 = arith.constant 632 : i32
    %mul3A_15 = arith.muli %arg1, %mul3A_14 : i32
    %mul3A_16 = arith.constant 632 : i32
    %mul3A_17 = arith.muli %arg1, %mul3A_16 : i32
    "tpu.region"() ({
      %run_scoped3A = tpu.sem_alloc : memref<!tpu.dma_semaphore, #tpu.memory_space<semaphore_mem>>
      %dma_start3A = arith.constant 0 : i32
      %dma_start3A_19 = tpu.memref_slice %arg6[%add3A_1, %mul3A_17, %dma_start3A] : memref<2x10112x128xf32, #tpu.memory_space<hbm>> -> memref<1x632x128xf32, #tpu.memory_space<hbm>>
      %dma_start3A_20 = tpu.memref_squeeze %dma_start3A_19 : memref<1x632x128xf32, #tpu.memory_space<hbm>> -> memref<632x128xf32, #tpu.memory_space<hbm>>
      %dma_start3A_21 = arith.constant 0 : i32
      %dma_start3A_22 = tpu.memref_slice %arg12[%mul3A_15, %dma_start3A_21] : memref<10112x128xf32, #tpu.memory_space<vmem_shared>> -> memref<632x128xf32, #tpu.memory_space<vmem_shared>>
      tpu.enqueue_dma source(%dma_start3A_22 : memref<632x128xf32, #tpu.memory_space<vmem_shared>>) target(%dma_start3A_20 : memref<632x128xf32, #tpu.memory_space<hbm>>) target_semaphore(%run_scoped3A : memref<!tpu.dma_semaphore, #tpu.memory_space<semaphore_mem>>)
      %dma_wait3A = arith.constant 0 : i32
      %dma_wait3A_23 = tpu.memref_slice %arg6[%add3A_1, %mul3A_17, %dma_wait3A] : memref<2x10112x128xf32, #tpu.memory_space<hbm>> -> memref<1x632x128xf32, #tpu.memory_space<hbm>>
      %dma_wait3A_24 = tpu.memref_squeeze %dma_wait3A_23 : memref<1x632x128xf32, #tpu.memory_space<hbm>> -> memref<632x128xf32, #tpu.memory_space<hbm>>
      %dma_wait3A_25 = arith.constant 0 : i32
      %dma_wait3A_26 = tpu.memref_slice %arg12[%mul3A_15, %dma_wait3A_25] : memref<10112x128xf32, #tpu.memory_space<vmem_shared>> -> memref<632x128xf32, #tpu.memory_space<vmem_shared>>
      tpu.wait_dma2 semaphore(%run_scoped3A : memref<!tpu.dma_semaphore, #tpu.memory_space<semaphore_mem>>) src(%dma_wait3A_26 : memref<632x128xf32, #tpu.memory_space<vmem_shared>>) dst(%dma_wait3A_24 : memref<632x128xf32, #tpu.memory_space<hbm>>)
      tpu.yield
    }) : () -> ()
    %barrier3A_18 = arith.constant 0 : index
    tpu.barrier barrier_id(%barrier3A_18)
    return
  }
}

module attributes {stable_mosaic.version = 14 : i64} {
  func.func @body(%arg0: i32, %arg1: memref<2x632x128xf32, #tpu.memory_space<vmem>>, %arg2: memref<632x128xf32, #tpu.memory_space<vmem>>, %arg3: memref<632x256xf32, #tpu.memory_space<vmem>>, %arg4: memref<256x512xf32, #tpu.memory_space<vmem>>, %arg5: memref<256x512xf32, #tpu.memory_space<vmem>>, %arg6: memref<1x512xf32, #tpu.memory_space<vmem>>, %arg7: memref<632x512xf32, #tpu.memory_space<vmem>>) attributes {dimension_semantics = [#tpu.dimension_semantics<arbitrary>], iteration_bounds = array<i64: 16>, scalar_prefetch = 0 : i64, scratch_operands = 0 : i64, tpu.core_type = #tpu.core_type<tc>, window_params = [{transform_indices = @transform_0, window_bounds = array<i64: 2, 632, 128>}, {transform_indices = @transform_1, window_bounds = array<i64: 632, 128>}, {transform_indices = @transform_2, window_bounds = array<i64: 632, 256>}, {pipeline_mode = #tpu.pipeline_mode<synchronous>, transform_indices = @transform_3, window_bounds = array<i64: 256, 512>}, {pipeline_mode = #tpu.pipeline_mode<synchronous>, transform_indices = @transform_4, window_bounds = array<i64: 256, 512>}, {pipeline_mode = #tpu.pipeline_mode<synchronous>, transform_indices = @transform_5, window_bounds = array<i64: 1, 512>}, {transform_indices = @transform_6, window_bounds = array<i64: 632, 512>}]} {
    %broadcast_in_dim3A = arith.constant 0.000000e+00 : f32
    %broadcast_in_dim3A_0 = vector.broadcast %broadcast_in_dim3A : f32 to vector<632x512xf32>
    %get3A = arith.constant 0 : index
    %get3A_1 = arith.constant 0 : index
    %get3A_2 = arith.constant 0 : index
    %get3A_3 = vector.load %arg1[%get3A, %get3A_1, %get3A_2] : memref<2x632x128xf32, #tpu.memory_space<vmem>>, vector<1x632x128xf32>
    %get3A_4 = vector.shape_cast %get3A_3 : vector<1x632x128xf32> to vector<632x128xf32>
    %get3A_5 = arith.constant 0 : index
    %get3A_6 = arith.constant 0 : index
    %get3A_7 = vector.load %arg4[%get3A_5, %get3A_6] : memref<256x512xf32, #tpu.memory_space<vmem>>, vector<128x512xf32>
    %dot_general3A = arith.constant dense<0.000000e+00> : vector<632x512xf32>
    %dot_general3A_8 = tpu.matmul %get3A_4, %get3A_7, %dot_general3A {dimension_numbers = #tpu.dot_dimension_numbers<[1], [0], [0], [1], [0, 0, 1, 1], [], []>, transpose_lhs_hint = false} : vector<632x128xf32>, vector<128x512xf32>, vector<632x512xf32> -> vector<632x512xf32>
    %add3A = arith.addf %broadcast_in_dim3A_0, %dot_general3A_8 : vector<632x512xf32>
    %get3A_9 = arith.constant 1 : index
    %get3A_10 = arith.constant 0 : index
    %get3A_11 = arith.constant 0 : index
    %get3A_12 = vector.load %arg1[%get3A_9, %get3A_10, %get3A_11] : memref<2x632x128xf32, #tpu.memory_space<vmem>>, vector<1x632x128xf32>
    %get3A_13 = vector.shape_cast %get3A_12 : vector<1x632x128xf32> to vector<632x128xf32>
    %get3A_14 = arith.constant 128 : index
    %get3A_15 = arith.constant 0 : index
    %get3A_16 = vector.load %arg4[%get3A_14, %get3A_15] : memref<256x512xf32, #tpu.memory_space<vmem>>, vector<128x512xf32>
    %dot_general3A_17 = arith.constant dense<0.000000e+00> : vector<632x512xf32>
    %dot_general3A_18 = tpu.matmul %get3A_13, %get3A_16, %dot_general3A_17 {dimension_numbers = #tpu.dot_dimension_numbers<[1], [0], [0], [1], [0, 0, 1, 1], [], []>, transpose_lhs_hint = false} : vector<632x128xf32>, vector<128x512xf32>, vector<632x512xf32> -> vector<632x512xf32>
    %add3A_19 = arith.addf %add3A, %dot_general3A_18 : vector<632x512xf32>
    %get3A_20 = arith.constant 0 : index
    %get3A_21 = arith.constant 0 : index
    %get3A_22 = vector.load %arg2[%get3A_20, %get3A_21] : memref<632x128xf32, #tpu.memory_space<vmem>>, vector<632x1xf32>
    %max3A = arith.constant 1.000000e+00 : f32
    %max3A_23 = vector.broadcast %max3A : f32 to vector<632x1xf32>
    %max3A_24 = arith.maximumf %get3A_22, %max3A_23 : vector<632x1xf32>
    %div3A = arith.constant 1.000000e+00 : f32
    %div3A_25 = vector.broadcast %div3A : f32 to vector<632x1xf32>
    %div3A_26 = arith.divf %div3A_25, %max3A_24 : vector<632x1xf32>
    %mul3A = vector.broadcast %div3A_26 : vector<632x1xf32> to vector<632x512xf32>
    %mul3A_27 = arith.mulf %add3A_19, %mul3A : vector<632x512xf32>
    %get3A_28 = arith.constant 0 : index
    %get3A_29 = arith.constant 0 : index
    %get3A_30 = vector.load %arg3[%get3A_28, %get3A_29] : memref<632x256xf32, #tpu.memory_space<vmem>>, vector<632x256xf32>
    %get3A_31 = arith.constant 0 : index
    %get3A_32 = arith.constant 0 : index
    %get3A_33 = vector.load %arg5[%get3A_31, %get3A_32] : memref<256x512xf32, #tpu.memory_space<vmem>>, vector<256x512xf32>
    %dot_general3A_34 = arith.constant dense<0.000000e+00> : vector<632x512xf32>
    %dot_general3A_35 = tpu.matmul %get3A_30, %get3A_33, %dot_general3A_34 {dimension_numbers = #tpu.dot_dimension_numbers<[1], [0], [0], [1], [0, 0, 1, 1], [], []>, transpose_lhs_hint = false} : vector<632x256xf32>, vector<256x512xf32>, vector<632x512xf32> -> vector<632x512xf32>
    %add3A_36 = arith.addf %mul3A_27, %dot_general3A_35 : vector<632x512xf32>
    %get3A_37 = arith.constant 0 : index
    %get3A_38 = arith.constant 0 : index
    %get3A_39 = vector.load %arg6[%get3A_37, %get3A_38] : memref<1x512xf32, #tpu.memory_space<vmem>>, vector<1x512xf32>
    %add3A_40 = vector.broadcast %get3A_39 : vector<1x512xf32> to vector<632x512xf32>
    %add3A_41 = arith.addf %add3A_36, %add3A_40 : vector<632x512xf32>
    %max3A_42 = arith.constant 0.000000e+00 : f32
    %max3A_43 = vector.broadcast %max3A_42 : f32 to vector<632x512xf32>
    %max3A_44 = arith.maximumf %add3A_41, %max3A_43 : vector<632x512xf32>
    %swap3A = arith.constant 0 : index
    %swap3A_45 = arith.constant 0 : index
    %swap3A_46 = vector.load %arg7[%swap3A, %swap3A_45] : memref<632x512xf32, #tpu.memory_space<vmem>>, vector<632x512xf32>
    tpu.vector_store %arg7[%swap3A, %swap3A_45], %max3A_44 {strides = array<i32>} : memref<632x512xf32, #tpu.memory_space<vmem>>, vector<632x512xf32>,
    return
  }
  func.func @transform_0(%arg0: i32) -> (i32, i32, i32) {
    %c0_i32 = arith.constant 0 : i32
    %c0_i32_0 = arith.constant 0 : i32
    %c0_i32_1 = arith.constant 0 : i32
    return %c0_i32, %arg0, %c0_i32_0 : i32, i32, i32
  }
  func.func @transform_1(%arg0: i32) -> (i32, i32) {
    %c0_i32 = arith.constant 0 : i32
    %c0_i32_0 = arith.constant 0 : i32
    return %arg0, %c0_i32 : i32, i32
  }
  func.func @transform_2(%arg0: i32) -> (i32, i32) {
    %c0_i32 = arith.constant 0 : i32
    %c0_i32_0 = arith.constant 0 : i32
    return %arg0, %c0_i32 : i32, i32
  }
  func.func @transform_3(%arg0: i32) -> (i32, i32) {
    %c0_i32 = arith.constant 0 : i32
    %c0_i32_0 = arith.constant 0 : i32
    %c0_i32_1 = arith.constant 0 : i32
    return %c0_i32, %c0_i32_0 : i32, i32
  }
  func.func @transform_4(%arg0: i32) -> (i32, i32) {
    %c0_i32 = arith.constant 0 : i32
    %c0_i32_0 = arith.constant 0 : i32
    %c0_i32_1 = arith.constant 0 : i32
    return %c0_i32, %c0_i32_0 : i32, i32
  }
  func.func @transform_5(%arg0: i32) -> (i32, i32) {
    %c0_i32 = arith.constant 0 : i32
    %c0_i32_0 = arith.constant 0 : i32
    %c0_i32_1 = arith.constant 0 : i32
    return %c0_i32, %c0_i32_0 : i32, i32
  }
  func.func @transform_6(%arg0: i32) -> (i32, i32) {
    %c0_i32 = arith.constant 0 : i32
    %c0_i32_0 = arith.constant 0 : i32
    return %arg0, %c0_i32 : i32, i32
  }
}

module attributes {stable_mosaic.version = 14 : i64} {
  func.func @body(%arg0: i32, %arg1: memref<4x632x128xf32, #tpu.memory_space<vmem>>, %arg2: memref<632x128xf32, #tpu.memory_space<vmem>>, %arg3: memref<632x512xf32, #tpu.memory_space<vmem>>, %arg4: memref<512x512xf32, #tpu.memory_space<vmem>>, %arg5: memref<512x512xf32, #tpu.memory_space<vmem>>, %arg6: memref<1x512xf32, #tpu.memory_space<vmem>>, %arg7: memref<632x512xf32, #tpu.memory_space<vmem>>) attributes {dimension_semantics = [#tpu.dimension_semantics<arbitrary>], iteration_bounds = array<i64: 16>, scalar_prefetch = 0 : i64, scratch_operands = 0 : i64, tpu.core_type = #tpu.core_type<tc>, window_params = [{transform_indices = @transform_0, window_bounds = array<i64: 4, 632, 128>}, {transform_indices = @transform_1, window_bounds = array<i64: 632, 128>}, {transform_indices = @transform_2, window_bounds = array<i64: 632, 512>}, {pipeline_mode = #tpu.pipeline_mode<synchronous>, transform_indices = @transform_3, window_bounds = array<i64: 512, 512>}, {pipeline_mode = #tpu.pipeline_mode<synchronous>, transform_indices = @transform_4, window_bounds = array<i64: 512, 512>}, {pipeline_mode = #tpu.pipeline_mode<synchronous>, transform_indices = @transform_5, window_bounds = array<i64: 1, 512>}, {transform_indices = @transform_6, window_bounds = array<i64: 632, 512>}]} {
    %broadcast_in_dim3A = arith.constant 0.000000e+00 : f32
    %broadcast_in_dim3A_0 = vector.broadcast %broadcast_in_dim3A : f32 to vector<632x512xf32>
    %get3A = arith.constant 0 : index
    %get3A_1 = arith.constant 0 : index
    %get3A_2 = arith.constant 0 : index
    %get3A_3 = vector.load %arg1[%get3A, %get3A_1, %get3A_2] : memref<4x632x128xf32, #tpu.memory_space<vmem>>, vector<1x632x128xf32>
    %get3A_4 = vector.shape_cast %get3A_3 : vector<1x632x128xf32> to vector<632x128xf32>
    %get3A_5 = arith.constant 0 : index
    %get3A_6 = arith.constant 0 : index
    %get3A_7 = vector.load %arg4[%get3A_5, %get3A_6] : memref<512x512xf32, #tpu.memory_space<vmem>>, vector<128x512xf32>
    %dot_general3A = arith.constant dense<0.000000e+00> : vector<632x512xf32>
    %dot_general3A_8 = tpu.matmul %get3A_4, %get3A_7, %dot_general3A {dimension_numbers = #tpu.dot_dimension_numbers<[1], [0], [0], [1], [0, 0, 1, 1], [], []>, transpose_lhs_hint = false} : vector<632x128xf32>, vector<128x512xf32>, vector<632x512xf32> -> vector<632x512xf32>
    %add3A = arith.addf %broadcast_in_dim3A_0, %dot_general3A_8 : vector<632x512xf32>
    %get3A_9 = arith.constant 1 : index
    %get3A_10 = arith.constant 0 : index
    %get3A_11 = arith.constant 0 : index
    %get3A_12 = vector.load %arg1[%get3A_9, %get3A_10, %get3A_11] : memref<4x632x128xf32, #tpu.memory_space<vmem>>, vector<1x632x128xf32>
    %get3A_13 = vector.shape_cast %get3A_12 : vector<1x632x128xf32> to vector<632x128xf32>
    %get3A_14 = arith.constant 128 : index
    %get3A_15 = arith.constant 0 : index
    %get3A_16 = vector.load %arg4[%get3A_14, %get3A_15] : memref<512x512xf32, #tpu.memory_space<vmem>>, vector<128x512xf32>
    %dot_general3A_17 = arith.constant dense<0.000000e+00> : vector<632x512xf32>
    %dot_general3A_18 = tpu.matmul %get3A_13, %get3A_16, %dot_general3A_17 {dimension_numbers = #tpu.dot_dimension_numbers<[1], [0], [0], [1], [0, 0, 1, 1], [], []>, transpose_lhs_hint = false} : vector<632x128xf32>, vector<128x512xf32>, vector<632x512xf32> -> vector<632x512xf32>
    %add3A_19 = arith.addf %add3A, %dot_general3A_18 : vector<632x512xf32>
    %get3A_20 = arith.constant 2 : index
    %get3A_21 = arith.constant 0 : index
    %get3A_22 = arith.constant 0 : index
    %get3A_23 = vector.load %arg1[%get3A_20, %get3A_21, %get3A_22] : memref<4x632x128xf32, #tpu.memory_space<vmem>>, vector<1x632x128xf32>
    %get3A_24 = vector.shape_cast %get3A_23 : vector<1x632x128xf32> to vector<632x128xf32>
    %get3A_25 = arith.constant 256 : index
    %get3A_26 = arith.constant 0 : index
    %get3A_27 = vector.load %arg4[%get3A_25, %get3A_26] : memref<512x512xf32, #tpu.memory_space<vmem>>, vector<128x512xf32>
    %dot_general3A_28 = arith.constant dense<0.000000e+00> : vector<632x512xf32>
    %dot_general3A_29 = tpu.matmul %get3A_24, %get3A_27, %dot_general3A_28 {dimension_numbers = #tpu.dot_dimension_numbers<[1], [0], [0], [1], [0, 0, 1, 1], [], []>, transpose_lhs_hint = false} : vector<632x128xf32>, vector<128x512xf32>, vector<632x512xf32> -> vector<632x512xf32>
    %add3A_30 = arith.addf %add3A_19, %dot_general3A_29 : vector<632x512xf32>
    %get3A_31 = arith.constant 3 : index
    %get3A_32 = arith.constant 0 : index
    %get3A_33 = arith.constant 0 : index
    %get3A_34 = vector.load %arg1[%get3A_31, %get3A_32, %get3A_33] : memref<4x632x128xf32, #tpu.memory_space<vmem>>, vector<1x632x128xf32>
    %get3A_35 = vector.shape_cast %get3A_34 : vector<1x632x128xf32> to vector<632x128xf32>
    %get3A_36 = arith.constant 384 : index
    %get3A_37 = arith.constant 0 : index
    %get3A_38 = vector.load %arg4[%get3A_36, %get3A_37] : memref<512x512xf32, #tpu.memory_space<vmem>>, vector<128x512xf32>
    %dot_general3A_39 = arith.constant dense<0.000000e+00> : vector<632x512xf32>
    %dot_general3A_40 = tpu.matmul %get3A_35, %get3A_38, %dot_general3A_39 {dimension_numbers = #tpu.dot_dimension_numbers<[1], [0], [0], [1], [0, 0, 1, 1], [], []>, transpose_lhs_hint = false} : vector<632x128xf32>, vector<128x512xf32>, vector<632x512xf32> -> vector<632x512xf32>
    %add3A_41 = arith.addf %add3A_30, %dot_general3A_40 : vector<632x512xf32>
    %get3A_42 = arith.constant 0 : index
    %get3A_43 = arith.constant 0 : index
    %get3A_44 = vector.load %arg2[%get3A_42, %get3A_43] : memref<632x128xf32, #tpu.memory_space<vmem>>, vector<632x1xf32>
    %max3A = arith.constant 1.000000e+00 : f32
    %max3A_45 = vector.broadcast %max3A : f32 to vector<632x1xf32>
    %max3A_46 = arith.maximumf %get3A_44, %max3A_45 : vector<632x1xf32>
    %div3A = arith.constant 1.000000e+00 : f32
    %div3A_47 = vector.broadcast %div3A : f32 to vector<632x1xf32>
    %div3A_48 = arith.divf %div3A_47, %max3A_46 : vector<632x1xf32>
    %mul3A = vector.broadcast %div3A_48 : vector<632x1xf32> to vector<632x512xf32>
    %mul3A_49 = arith.mulf %add3A_41, %mul3A : vector<632x512xf32>
    %get3A_50 = arith.constant 0 : index
    %get3A_51 = arith.constant 0 : index
    %get3A_52 = vector.load %arg3[%get3A_50, %get3A_51] : memref<632x512xf32, #tpu.memory_space<vmem>>, vector<632x512xf32>
    %get3A_53 = arith.constant 0 : index
    %get3A_54 = arith.constant 0 : index
    %get3A_55 = vector.load %arg5[%get3A_53, %get3A_54] : memref<512x512xf32, #tpu.memory_space<vmem>>, vector<512x512xf32>
    %dot_general3A_56 = arith.constant dense<0.000000e+00> : vector<632x512xf32>
    %dot_general3A_57 = tpu.matmul %get3A_52, %get3A_55, %dot_general3A_56 {dimension_numbers = #tpu.dot_dimension_numbers<[1], [0], [0], [1], [0, 0, 1, 1], [], []>, transpose_lhs_hint = false} : vector<632x512xf32>, vector<512x512xf32>, vector<632x512xf32> -> vector<632x512xf32>
    %add3A_58 = arith.addf %mul3A_49, %dot_general3A_57 : vector<632x512xf32>
    %get3A_59 = arith.constant 0 : index
    %get3A_60 = arith.constant 0 : index
    %get3A_61 = vector.load %arg6[%get3A_59, %get3A_60] : memref<1x512xf32, #tpu.memory_space<vmem>>, vector<1x512xf32>
    %add3A_62 = vector.broadcast %get3A_61 : vector<1x512xf32> to vector<632x512xf32>
    %add3A_63 = arith.addf %add3A_58, %add3A_62 : vector<632x512xf32>
    %swap3A = arith.constant 0 : index
    %swap3A_64 = arith.constant 0 : index
    %swap3A_65 = vector.load %arg7[%swap3A, %swap3A_64] : memref<632x512xf32, #tpu.memory_space<vmem>>, vector<632x512xf32>
    tpu.vector_store %arg7[%swap3A, %swap3A_64], %add3A_63 {strides = array<i32>} : memref<632x512xf32, #tpu.memory_space<vmem>>, vector<632x512xf32>,
    return
  }
  func.func @transform_0(%arg0: i32) -> (i32, i32, i32) {
    %c0_i32 = arith.constant 0 : i32
    %c0_i32_0 = arith.constant 0 : i32
    %c0_i32_1 = arith.constant 0 : i32
    return %c0_i32, %arg0, %c0_i32_0 : i32, i32, i32
  }
  func.func @transform_1(%arg0: i32) -> (i32, i32) {
    %c0_i32 = arith.constant 0 : i32
    %c0_i32_0 = arith.constant 0 : i32
    return %arg0, %c0_i32 : i32, i32
  }
  func.func @transform_2(%arg0: i32) -> (i32, i32) {
    %c0_i32 = arith.constant 0 : i32
    %c0_i32_0 = arith.constant 0 : i32
    return %arg0, %c0_i32 : i32, i32
  }
  func.func @transform_3(%arg0: i32) -> (i32, i32) {
    %c0_i32 = arith.constant 0 : i32
    %c0_i32_0 = arith.constant 0 : i32
    %c0_i32_1 = arith.constant 0 : i32
    return %c0_i32, %c0_i32_0 : i32, i32
  }
  func.func @transform_4(%arg0: i32) -> (i32, i32) {
    %c0_i32 = arith.constant 0 : i32
    %c0_i32_0 = arith.constant 0 : i32
    %c0_i32_1 = arith.constant 0 : i32
    return %c0_i32, %c0_i32_0 : i32, i32
  }
  func.func @transform_5(%arg0: i32) -> (i32, i32) {
    %c0_i32 = arith.constant 0 : i32
    %c0_i32_0 = arith.constant 0 : i32
    %c0_i32_1 = arith.constant 0 : i32
    return %c0_i32, %c0_i32_0 : i32, i32
  }
  func.func @transform_6(%arg0: i32) -> (i32, i32) {
    %c0_i32 = arith.constant 0 : i32
    %c0_i32_0 = arith.constant 0 : i32
    return %arg0, %c0_i32 : i32, i32
  }
}

</mosaic_0001>

<sc_bundles>
// kernel: kernel.10.cloned.1.call-start
scs
__scs_entry_jumppad:
0x0: {  	(pc) =	sbr.rel $0x88, $3  }
0x1: {  	(tag) =	ssettag $0x0;
	lr =	simm.s32 $0x1  }
0x2: {  	[smem:$0x3F99] =	sst lr;
	_ =	strace $0xD0000000  }
0x3: {  	_ = 	snop  }
0x4: {  	_ = 	snop  }
0x5: {  	_ = 	snop  }
0x6: {  	_ = 	snop  }
0x7: {  	_ = 	snop  }
__scs_overlays_trampoline_lowered:
0x8: {  	[smem:$0x3FA8] =	sst s0  }
0x9: {  	[smem:$0x3FA9] =	sst s1  }
0xa: {  	[smem:$0x3FAA] =	sst s2  }
0xb: {  	[smem:$0x3FAB] =	sst s3  }
0xc: {  	[smem:$0x3FAC] =	sst s4  }
0xd: {  	[smem:$0x3FAD] =	sst s5  }
0xe: {  	[smem:$0x3FAE] =	sst s6  }
0xf: {  	[smem:$0x3FAF] =	sst s7  }
0x10: {  	[smem:$0x3FB0] =	sst s8  }
0x11: {  	[smem:$0x3FB1] =	sst s9;
	s0 =	simm.s32 @!p0 $0x0  }
0x12: {  	s1 =	sld [smem:$0x3F97];
	s0 =	simm.s32 @p0 $0x1  }
0x13: {  	[smem:$0x3FB2] =	sst s0;
	s0 =	simm.s32 @!p1 $0x0  }
0x14: {  	s2 =	sld [smem:$0x3F96];
	s0 =	simm.s32 @p1 $0x1  }
0x15: {  	[smem:$0x3FB3] =	sst s0;
	s0 =	simm.s32 @!p2 $0x0  }
0x16: {  	s3 =	sld [smem:$0x3FDB];
	s0 =	simm.s32 @p2 $0x1  }
0x17: {  	s4 =	simm.s32 $0x1BF5;
	[smem:$0x3FB5] =	sst s0  }
0x18: {  	s0 =	sld [smem:$0x3F98];
	_ =	swait.ge [sflag:s4], $0x0  }
0x19: {  	s7 =	sld [smem:$0x3F99]  }
0x1a: {  	s8 =	sadd.s32 $0xFFFFE003, lr  }
0x1b: {  	s9 =	sadd.s32 $0xFFFFFEF7, lr;
	s5 =	simm.s32 $0xFFFFFFFF;
	p2 =	slt.u32 s8, $0xFFFFF086  }
0x1c: {  	p1 =	slt.u32 s9, $0xF7A;
	s5 =	simm.s32 @!p2 $0x0  }
0x1d: {  	s5 =	simm.s32 @p1 $0x1;
	p0 =	seq.s32 s7, s2  }
0x1e: {  	s7 =	smul.u32 @!p0 $0xF7A, s2;
	p2 =	seq.s32 @!p0 s5, $0x0  }
0x1f: {  	s9 =	smul.u32 $0xF7A, s1;
	s8 =	simm.s32 @!p0 $0x1BF5;
	p2 =	por !p2, p0  }
0x20: {  	[sflag:s8] =	ssyncset.s32 @!p0 $0xFFFFF086;
	s6 =	sadd.s32 @!p0 s3, s7;
	s7 =	simm.s32 @!p0 $0x108  }
0x21: {  	s3 =	sadd.s32 s3, s9;
	s6 =	sadd.s32 @!p0 $0x88, s6;
	s7 =	simm.s32 @p2 $0x1082  }
0x22: {  	[simem:s7], [sflag:s8] =	dma.local @!p0 [hbm:s6], $0xF7A  }
0x23: {  	s9 =	sor.u32 $0xD0000000, s2;
	s6 =	simm.s32 $0x108;
	_ =	swait.ge @!p0 [sflag:s8], $0x0  }
0x24: {  	s3 =	sadd.s32 $0x88, s3;
	s6 =	simm.s32 @!p1 $0x1082;
	[sflag:s4] =	ssyncset.s32 $0xFFFFF086  }
0x25: {  	[simem:s6], [sflag:s4] =	dma.local [hbm:s3], $0xF7A  }
0x26: {  	[smem:$0x3F99] =	sst s1;
	(tag) =	ssettag s2;
	_ =	strace s9  }
0x27: {  	s1 =	sld [smem:$0x3FA9]  }
0x28: {  	s2 =	sld [smem:$0x3FAA]  }
0x29: {  	s4 =	sld [smem:$0x3FAC]  }
0x2a: {  	p0 =	seq.s32 s5, $0x0;
	s5 =	sld [smem:$0x3FAD]  }
0x2b: {  	s6 =	sld [smem:$0x3FAE]  }
0x2c: {  	s7 =	sld [smem:$0x3FAF]  }
0x2d: {  	s3 =	simm.s32 $0x108;
	s8 =	sld [smem:$0x3FB0]  }
0x2e: {  	s3 =	simm.s32 @!p0 $0x1082;
	s9 =	sld [smem:$0x3FB1]  }
0x2f: {  	lr =	sadd.s32 s0, s3;
	s0 =	sld [smem:$0x3FA8]  }
0x30: {  	s3 =	sld [smem:$0x3FAB]  }
0x31: {  	[smem:$0x3FB4] =	sst s10  }
0x32: {  	s10 =	sld [smem:$0x3FB2];
	_ =	sdelay $0x3  }
0x33: {  	p0 =	seq.s32 s10, $0x1;
	s10 =	sld [smem:$0x3FB4];
	_ =	sdelay $0x3  }
0x34: {  	[smem:$0x3FB4] =	sst s10  }
0x35: {  	s10 =	sld [smem:$0x3FB3];
	_ =	sdelay $0x3  }
0x36: {  	p1 =	seq.s32 s10, $0x1;
	s10 =	sld [smem:$0x3FB4];
	_ =	sdelay $0x3  }
0x37: {  	[smem:$0x3FB4] =	sst s10  }
0x38: {  	s10 =	sld [smem:$0x3FB5]  }
0x39: {  	_ = 	snop;
	(pc) =	sbr.ind lr, $3  }
0x3a: {  	_ = 	snop  }
0x3b: {  	_ = 	snop  }
0x3c: {  	p2 =	seq.s32 s10, $0x1;
	s10 =	sld [smem:$0x3FB4]  }
0x3d: {  	_ =	shalt  }
0x3e: {  	_ =	shalt  }
0x3f: {  	_ =	shalt  }
0x40: {  	_ =	shalt  }
0x41: {  	_ =	shalt  }
0x42: {  	_ =	shalt  }
0x43: {  	_ =	shalt  }
0x44: {  	_ =	shalt  }
0x45: {  	_ =	shalt  }
0x46: {  	_ =	shalt  }
0x47: {  	_ =	shalt  }
0x48: {  	_ =	shalt  }
0x49: {  	_ =	shalt  }
0x4a: {  	_ =	shalt  }
0x4b: {  	_ =	shalt  }
0x4c: {  	_ =	shalt  }
0x4d: {  	_ =	shalt  }
0x4e: {  	_ =	shalt  }
0x4f: {  	_ =	shalt  }
0x50: {  	_ =	shalt  }
0x51: {  	_ =	shalt  }
0x52: {  	_ =	shalt  }
0x53: {  	_ =	shalt  }
0x54: {  	_ =	shalt  }
0x55: {  	_ =	shalt  }
0x56: {  	_ =	shalt  }
0x57: {  	_ =	shalt  }
0x58: {  	_ =	shalt  }
0x59: {  	_ =	shalt  }
0x5a: {  	_ =	shalt  }
0x5b: {  	_ =	shalt  }
0x5c: {  	_ =	shalt  }
0x5d: {  	_ =	shalt  }
0x5e: {  	_ =	shalt  }
0x5f: {  	_ =	shalt  }
0x60: {  	_ =	shalt  }
0x61: {  	_ =	shalt  }
0x62: {  	_ =	shalt  }
0x63: {  	_ =	shalt  }
0x64: {  	_ =	shalt  }
0x65: {  	_ =	shalt  }
0x66: {  	_ =	shalt  }
0x67: {  	_ =	shalt  }
0x68: {  	_ =	shalt  }
0x69: {  	_ =	shalt  }
0x6a: {  	_ =	shalt  }
0x6b: {  	_ =	shalt  }
0x6c: {  	_ =	shalt  }
0x6d: {  	_ =	shalt  }
0x6e: {  	_ =	shalt  }
0x6f: {  	_ =	shalt  }
0x70: {  	_ =	shalt  }
0x71: {  	_ =	shalt  }
0x72: {  	_ =	shalt  }
0x73: {  	_ =	shalt  }
0x74: {  	_ =	shalt  }
0x75: {  	_ =	shalt  }
0x76: {  	_ =	shalt  }
0x77: {  	_ =	shalt  }
0x78: {  	_ =	shalt  }
0x79: {  	_ =	shalt  }
0x7a: {  	_ =	shalt  }
0x7b: {  	_ =	shalt  }
0x7c: {  	_ =	shalt  }
0x7d: {  	_ =	shalt  }
0x7e: {  	_ =	shalt  }
0x7f: {  	_ =	shalt  }
0x80: {  	_ =	shalt  }
0x81: {  	_ =	shalt  }
0x82: {  	_ =	shalt  }
0x83: {  	_ =	shalt  }
0x84: {  	_ =	shalt  }
0x85: {  	_ =	shalt  }
0x86: {  	_ =	shalt  }
0x87: {  	_ =	shalt  }
.Lfunc_end0:
.L_simem_size_0:
called_computation.1_lowered:
.L_overlay_start_0:
0x88: {  	s2 =	sld [smem:$0x3FD9]  }
0x89: {  	s3 =	sld [smem:$0x3FFE];
	_ =	sdelay $0x1  }
0x8a: {  	s1 =	srdreg.scid  }
0x8b: {  	s0 =	sand.u32 $0x1, s1  }
0x8c: {  	s16 =	sshll.u32 s0, $0xA;
	s2 =	sadd.s32 s3, s2  }
0x8d: {  	s2 =	sadd.s32 s2, s16  }
0x8e: {  	[smem:$0x3FC0] =	sst s2  }
0x8f: {  	_ = 	snop  }
0x90: {  	(tm) =	ssettm $0x1  }
0x91: {  	s17 =	sld [smem:$0x3FFB];
	_ =	sdelay $0x3  }
0x92: {  	_ =	strace s17  }
0x93: {  	s2 =	sld [smem:$0x3FFC];
	_ =	sdelay $0x3  }
0x94: {  	_ =	strace s2  }
0x95: {  	s2 =	sld [smem:$0x3FFD];
	_ =	sdelay $0x3  }
0x96: {  	_ =	strace s2  }
0x97: {  	_ =	strace $0x8FFFFFFF  }
0x98: {  	s18 =	sld [smem:$0x3FDB];
	_ =	sdelay $0x1  }
0x99: {  	s19 =	simm.s32 $_scs_section_size  }
0x9a: {  	s4 =	simm.s32 $_size__tile_overlayer_lowered;
	s5 =	simm.s32 $_tile_overlayer_lowered  }
0x9b: {  	s22 =	simm.s32 $0x1BFF;
	s21 =	sshll.u32 s5, $0x1;
	s2 =	sadd.s32 s19, s18  }
0x9c: {  	s6 =	simm.s32 $0x0;
	s20 =	sshll.u32 s4, $0x1;
	s4 =	sadd.s32 s21, s2  }
0x9d: {  	[timem:s6], [sflag:s22] =	dma.local [hbm:s4], s20  }
0x9e: {  	_ =	swait.ge [sflag:s22], s20  }
0x9f: {  	s3 =	ssub.s32 $0x0, s20;
	[sflag:s22] =	ssyncset.done $0x0  }
0xa0: {  	[sflag:s22] =	ssyncadd.s32 s3;
	_ =	sdelay $0x1  }
0xa1: {  	s23 =	simm.s32 $0x1B8B  }
0xa2: {  	_ =	swait.ge [sflag:s23], $0x1  }
0xa3: {  	[sflag:s23] =	ssyncset.done $0x0  }
0xa4: {  	s25 =	simm.s32 $0x1B8E;
	s24 =	sld [smem:$0x3FFE];
	[sflag:s23] =	ssyncadd.s32 $0xFFFFFFFF  }
0xa5: {  	s26 =	simm.s32 $execute0_lowered;
	[smem:$0x3FD2] =	sst s25  }
0xa6: {  	s4 =	sshll.u32 s26, $0x1;
	_ =	strace $0x80000046;
	[dreg:$0x1] =	wrdreg $0xFFFFFFFF  }
0xa7: {  	s28 =	simm.s32 $_size_execute0_lowered;
	s2 =	sadd.s32 s2, s4;
	[dreg:$0x0] =	wrdreg $0x0  }
0xa8: {  	s4 =	sshll.u32 s28, $0x1;
	[dreg:$0x2] =	wrdreg s2  }
0xa9: {  	[dreg:$0x3] =	wrdreg s4  }
0xaa: {  	[dreg:$0x4] =	wrdreg $0xC0  }
0xab: {  	_ =	task [dreg:s6], $0x5FFFF  }
0xac: {  	[dreg:$0x1] =	wrdreg $0xFFFFFFFF  }
0xad: {  	[dreg:$0x0] =	wrdreg $0x60  }
0xae: {  	[dreg:$0x2] =	wrdreg s24  }
0xaf: {  	[dreg:$0x3] =	wrdreg $0x38000  }
0xb0: {  	[dreg:$0x4] =	wrdreg $0xA  }
0xb1: {  	_ =	task.clear_ibuf [dreg:s6], $0x5FFFF;
	_ =	strace $0x90000046  }
0xb2: {  	s29 =	simm.s32 $0xA;
	_ =	strace $0x80000048  }
0xb3: {  	_ =	swait.ge [sflag:s29], $0x1  }
0xb4: {  	[sflag:s29] =	ssyncadd.s32 $0xFFFFFFFF  }
0xb5: {  	_ =	strace $0x90000048  }
0xb6: {  	_ =	sfence  }
0xb7: {  	s30 =	sld [smem:$0x0];
	_ =	sdelay $0x2  }
0xb8: {  	s31 =	sshll.u32 s1, $0xD;
	s1 =	sshrl.u32 s1, $0x2  }
0xb9: {  	s3 =	sand.u32 $0x4000, s31;
	s1 =	sadd.s32 s1, s30  }
0xba: {  	s0 =	sor.u32 s3, s0;
	s1 =	sshll.u32 s1, $0x11  }
0xbb: {  	s0 =	sor.u32 s1, s0  }
0xbc: {  	s0 =	sadd.s32 $0x8F2B, s0  }
0xbd: {  	[sflag:s0] =	ssyncadd.remote.s32 $0x1  }
0xbe: {  	_ =	sfence.sel $0xFFFF  }
0xbf: {  	[dreg:$0x0] =	wrdreg $0xFFFFFFFF;
	(pc) =	sbr.abs _section_cstart, $3  }
0xc0: {  	[dreg:$0x1] =	wrdreg $0xFFFFFFFF  }
0xc1: {  	_ =	task.clear_ibuf [dreg:s6], $0x2FFFF;
	_ =	strace $0x9FFFFFFF  }
0xc2: {  	(tm) =	ssettm $0x7FFFFFFF  }
0xc3: {  	_ =	shalt  }
tec
execute0_lowered:
.L_overlay_start_1:
0x0: {  	(tag) =	ssettag $0x1  }
0x1: {  	s0 =	rddreg [dreg:$0x0]  }
0x2: {  	s1 =	rddreg [dreg:$0x1];
	s3 =	simm.s32 $0x0  }
0x3: {  	s2 =	srdreg.scid;
	s8 =	stileid.u32;
	s11 =	simm.s32 $0x3400  }
0x4: {  	s12 =	simm.s32 $0x2;
	s13 =	simm.s32 $0x1400;
	s14 =	simm.s32 $0x40  }
0x5: {  	s10 =	simm.s32 $0xB00;
	s15 =	simm.s32 $0xB80;
	s16 =	simm.s32 $0xC00  }
0x6: {  	s17 =	simm.s32 $0xC80;
	s18 =	simm.s32 $0xD00;
	s19 =	simm.s32 $0xD80  }
0x7: {  	s20 =	simm.s32 $0xE00;
	s21 =	simm.s32 $0xE80;
	s22 =	simm.s32 $0xF00  }
0x8: {  	s23 =	simm.s32 $0xF80;
	s28 =	simm.s32 $0x1180;
	s29 =	simm.s32 $0x1200  }
0x9: {  	s30 =	simm.s32 $0x1280;
	s31 =	simm.s32 $0x1300;
	[smem:$0x7FF] =	sst s3  }
0xa: {  	s2 =	sand.u32 $0x1, s2;
	s6 =	smul.u32 $0x13C00, s8;
	s4 =	sadd.s32 $0x3400, s0  }
0xb: {  	s7 =	sadd.s32 $0xD400, s0;
	s24 =	smul.u32 $0x4F000, s8;
	s9 =	sadd.s32 $0xD600, s0  }
0xc: {  	s8 =	smul.u32 $0x5000, s8;
	_ =	strace $0x80000047;
	[dreg:$0x3] =	wrdreg s7  }
0xd: {  	s5 =	smul.u32 $0x13C000, s2;
	[dreg:$0x4] =	wrdreg s9;
	s2 =	ssub.s32 $0x2, s2  }
0xe: {  	s9 =	simm.s32 $0xA80;
	s25 =	sshrl.u32 s2, $0x1;
	s7 =	sshrl.u32 s24, $0x2  }
0xf: {  	s24 =	simm.s32 $0x1000;
	s5 =	sadd.s32 s6, s5;
	s2 =	ssub.s32 s2, s25  }
0x10: {  	s7 =	sadd.s32 s7, s1;
	s25 =	simm.s32 $0x1080;
	s5 =	sshrl.u32 s5, $0x3  }
0x11: {  	s6 =	simm.s32 $0x0;
	s26 =	smax.u32 s2, $0x1;
	s0 =	sadd.s32 s5, s0  }
0x12: {  	s2 =	simm.s32 $0x1;
	[dreg:$0x6] =	wrdreg s26;
	s0 =	sadd.s32 $0xDA00, s0  }
0x13: {  	s26 =	simm.s32 $0x1100;
	[dreg:$0x5] =	wrdreg s0;
	s0 =	simm.s32 $0x1380  }
.LBB2_1:
0x14: {  	[dreg:$0x7] =	wrdreg s6  }
0x15: {  	s5 =	rddreg [dreg:$0x3]  }
0x16: {  	[tilespmem:s11], [sflag:$0x2] =	stream.linear.gather [hbm4b:s5+s3], $0x400, $0x38;
	[tilespmem:$0x17400] =	vst v63  }
0x17: {  	_ =	swait.ge [sflag:s12], $0x400  }
0x18: {  	[sflag:s12] =	ssyncset.done $0x0  }
0x19: {  	s6 =	rddreg [dreg:$0x4];
	[sflag:s12] =	ssyncadd.s32 $0xFFFFFC00  }
0x1a: {  	[tilespmem:s13], [sflag:$0x2] =	stream.linear.gather [hbm4b:s6+s3], $0x2000, $0x38;
	[tilespmem:$0x17400] =	vst v63  }
0x1b: {  	_ =	swait.ge [sflag:s12], $0x2000  }
0x1c: {  	[sflag:s12] =	ssyncset.done $0x0  }
0x1d: {  	s6 =	sadd.s32 $0x0, s7;
	[sflag:s12] =	ssyncadd.s32 $0xFFFFE000  }
0x1e: {  	[spmem:s6] =	stream.linear.scatter [tilespmem:s11], [sflag:$0x2], $0x400, $0x38;
	[tilespmem:$0x17400] =	vst v63  }
0x1f: {  	s5 =	simm.s32 $0x1000;
	_ =	swait.ge [sflag:s12], $0x400  }
.LBB2_2:
0x20: {  	s6 =	sshra.s32 s5, $0x2;
	[sflag:s12] =	ssyncset.done $0x0;
	p0 =	sne.s32 s5, $0x4E000  }
.Ltmp0:
0x21: {  	s6 =	sadd.s32 s6, s7;
	[sflag:s12] =	ssyncadd.s32 $0xFFFFFC00;
	(pc) =	sbr.rel @p0 .LBB2_2-.Ltmp0, $3  }
0x22: {  	[spmem:s6] =	stream.linear.scatter [tilespmem:s11], [sflag:$0x2], $0x400, $0x38;
	[tilespmem:$0x17400] =	vst v63  }
0x23: {  	s5 =	sadd.s32 $0x1000, s5;
	_ =	sdelay $0x1  }
0x24: {  	_ =	swait.ge [sflag:s12], $0x400  }
0x25: {  	[sflag:s12] =	ssyncset.done $0x0  }
0x26: {  	[sflag:s12] =	ssyncadd.s32 $0xFFFFFC00  }
0x27: {  	s5 =	simm.s32 $0x0;
	[bflag:$0x0] =	sbarrier.arrive $0xFFFF  }
.LBB2_4:
0x28: {  	s6 =	smul.u32 $0x1400, s5;
	_ =	sdelay $0x1  }
0x29: {  	s6 =	sadd.s32 s8, s6  }
0x2a: {  	s6 =	sshrl.u32 s6, $0x3  }
0x2b: {  	s6 =	sadd.s32 s4, s6  }
0x2c: {  	[tilespmem:s3], [sflag:$0x2] =	stream.linear.gather [hbm4b:s6+s3], $0x1400, $0x38;
	[tilespmem:$0x17400] =	vst v63  }
0x2d: {  	_ =	swait.ge [sflag:s12], $0x1400  }
0x2e: {  	[sflag:s12] =	ssyncset.done $0x0  }
0x2f: {  	[sflag:s12] =	ssyncadd.s32 $0xFFFFEC00  }
0x30: {  	[spmem:s1] =	stream.indirect.scatter.add.f32 [tilespmem:s13], [sflag:$0x1], $0x80, s3, s14, $0xb8;
	[tilespmem:$0x17400] =	vst v63  }
0x31: {  	s6 =	simm.s32 $0x80  }
0x32: {  	[spmem:s1] =	stream.indirect.scatter.add.f32 [tilespmem:s13], [sflag:$0x1], $0x80, s6, s14, $0xb8;
	[tilespmem:$0x17400] =	vst v63  }
0x33: {  	s6 =	simm.s32 $0x100  }
0x34: {  	[spmem:s1] =	stream.indirect.scatter.add.f32 [tilespmem:s13], [sflag:$0x1], $0x80, s6, s14, $0xb8;
	[tilespmem:$0x17400] =	vst v63  }
0x35: {  	s6 =	simm.s32 $0x180  }
0x36: {  	[spmem:s1] =	stream.indirect.scatter.add.f32 [tilespmem:s13], [sflag:$0x1], $0x80, s6, s14, $0xb8;
	[tilespmem:$0x17400] =	vst v63  }
0x37: {  	s6 =	simm.s32 $0x200  }
0x38: {  	[spmem:s1] =	stream.indirect.scatter.add.f32 [tilespmem:s13], [sflag:$0x1], $0x80, s6, s14, $0xb8;
	[tilespmem:$0x17400] =	vst v63  }
0x39: {  	s6 =	simm.s32 $0x280  }
0x3a: {  	[spmem:s1] =	stream.indirect.scatter.add.f32 [tilespmem:s13], [sflag:$0x1], $0x80, s6, s14, $0xb8;
	[tilespmem:$0x17400] =	vst v63  }
0x3b: {  	s6 =	simm.s32 $0x300  }
0x3c: {  	[spmem:s1] =	stream.indirect.scatter.add.f32 [tilespmem:s13], [sflag:$0x1], $0x80, s6, s14, $0xb8;
	[tilespmem:$0x17400] =	vst v63  }
0x3d: {  	s6 =	simm.s32 $0x380  }
0x3e: {  	[spmem:s1] =	stream.indirect.scatter.add.f32 [tilespmem:s13], [sflag:$0x1], $0x80, s6, s14, $0xb8;
	[tilespmem:$0x17400] =	vst v63  }
0x3f: {  	s6 =	simm.s32 $0x400  }
0x40: {  	[spmem:s1] =	stream.indirect.scatter.add.f32 [tilespmem:s13], [sflag:$0x1], $0x80, s6, s14, $0xb8;
	[tilespmem:$0x17400] =	vst v63  }
0x41: {  	s6 =	simm.s32 $0x480  }
0x42: {  	[spmem:s1] =	stream.indirect.scatter.add.f32 [tilespmem:s13], [sflag:$0x1], $0x80, s6, s14, $0xb8;
	[tilespmem:$0x17400] =	vst v63  }
0x43: {  	s6 =	simm.s32 $0x500  }
0x44: {  	[spmem:s1] =	stream.indirect.scatter.add.f32 [tilespmem:s13], [sflag:$0x1], $0x80, s6, s14, $0xb8;
	[tilespmem:$0x17400] =	vst v63  }
0x45: {  	s6 =	simm.s32 $0x580  }
0x46: {  	[spmem:s1] =	stream.indirect.scatter.add.f32 [tilespmem:s13], [sflag:$0x1], $0x80, s6, s14, $0xb8;
	[tilespmem:$0x17400] =	vst v63  }
0x47: {  	s6 =	simm.s32 $0x600  }
0x48: {  	[spmem:s1] =	stream.indirect.scatter.add.f32 [tilespmem:s13], [sflag:$0x1], $0x80, s6, s14, $0xb8;
	[tilespmem:$0x17400] =	vst v63  }
0x49: {  	s6 =	simm.s32 $0x680  }
0x4a: {  	[spmem:s1] =	stream.indirect.scatter.add.f32 [tilespmem:s13], [sflag:$0x1], $0x80, s6, s14, $0xb8;
	[tilespmem:$0x17400] =	vst v63  }
0x4b: {  	s6 =	simm.s32 $0x700  }
0x4c: {  	[spmem:s1] =	stream.indirect.scatter.add.f32 [tilespmem:s13], [sflag:$0x1], $0x80, s6, s14, $0xb8;
	[tilespmem:$0x17400] =	vst v63  }
0x4d: {  	s6 =	simm.s32 $0x780  }
0x4e: {  	[spmem:s1] =	stream.indirect.scatter.add.f32 [tilespmem:s13], [sflag:$0x1], $0x80, s6, s14, $0xb8;
	[tilespmem:$0x17400] =	vst v63  }
0x4f: {  	s6 =	simm.s32 $0x800  }
0x50: {  	[spmem:s1] =	stream.indirect.scatter.add.f32 [tilespmem:s13], [sflag:$0x1], $0x80, s6, s14, $0xb8;
	[tilespmem:$0x17400] =	vst v63  }
0x51: {  	s6 =	simm.s32 $0x880  }
0x52: {  	[spmem:s1] =	stream.indirect.scatter.add.f32 [tilespmem:s13], [sflag:$0x1], $0x80, s6, s14, $0xb8;
	[tilespmem:$0x17400] =	vst v63  }
0x53: {  	s6 =	simm.s32 $0x900  }
0x54: {  	[spmem:s1] =	stream.indirect.scatter.add.f32 [tilespmem:s13], [sflag:$0x1], $0x80, s6, s14, $0xb8;
	[tilespmem:$0x17400] =	vst v63  }
0x55: {  	s6 =	simm.s32 $0x980  }
0x56: {  	[spmem:s1] =	stream.indirect.scatter.add.f32 [tilespmem:s13], [sflag:$0x1], $0x80, s6, s14, $0xb8;
	[tilespmem:$0x17400] =	vst v63  }
0x57: {  	s6 =	simm.s32 $0xA00  }
0x58: {  	[spmem:s1] =	stream.indirect.scatter.add.f32 [tilespmem:s13], [sflag:$0x1], $0x80, s6, s14, $0xb8;
	[tilespmem:$0x17400] =	vst v63  }
0x59: {  	_ = 	snop  }
0x5a: {  	[spmem:s1] =	stream.indirect.scatter.add.f32 [tilespmem:s13], [sflag:$0x1], $0x80, s9, s14, $0xb8;
	[tilespmem:$0x17400] =	vst v63  }
0x5b: {  	_ = 	snop  }
0x5c: {  	[spmem:s1] =	stream.indirect.scatter.add.f32 [tilespmem:s13], [sflag:$0x1], $0x80, s10, s14, $0xb8;
	[tilespmem:$0x17400] =	vst v63  }
0x5d: {  	_ = 	snop  }
0x5e: {  	[spmem:s1] =	stream.indirect.scatter.add.f32 [tilespmem:s13], [sflag:$0x1], $0x80, s15, s14, $0xb8;
	[tilespmem:$0x17400] =	vst v63  }
0x5f: {  	_ = 	snop  }
0x60: {  	[spmem:s1] =	stream.indirect.scatter.add.f32 [tilespmem:s13], [sflag:$0x1], $0x80, s16, s14, $0xb8;
	[tilespmem:$0x17400] =	vst v63  }
0x61: {  	_ = 	snop  }
0x62: {  	[spmem:s1] =	stream.indirect.scatter.add.f32 [tilespmem:s13], [sflag:$0x1], $0x80, s17, s14, $0xb8;
	[tilespmem:$0x17400] =	vst v63  }
0x63: {  	_ = 	snop  }
0x64: {  	[spmem:s1] =	stream.indirect.scatter.add.f32 [tilespmem:s13], [sflag:$0x1], $0x80, s18, s14, $0xb8;
	[tilespmem:$0x17400] =	vst v63  }
0x65: {  	_ = 	snop  }
0x66: {  	[spmem:s1] =	stream.indirect.scatter.add.f32 [tilespmem:s13], [sflag:$0x1], $0x80, s19, s14, $0xb8;
	[tilespmem:$0x17400] =	vst v63  }
0x67: {  	_ = 	snop  }
0x68: {  	[spmem:s1] =	stream.indirect.scatter.add.f32 [tilespmem:s13], [sflag:$0x1], $0x80, s20, s14, $0xb8;
	[tilespmem:$0x17400] =	vst v63  }
0x69: {  	_ = 	snop  }
0x6a: {  	[spmem:s1] =	stream.indirect.scatter.add.f32 [tilespmem:s13], [sflag:$0x1], $0x80, s21, s14, $0xb8;
	[tilespmem:$0x17400] =	vst v63  }
0x6b: {  	_ = 	snop  }
0x6c: {  	[spmem:s1] =	stream.indirect.scatter.add.f32 [tilespmem:s13], [sflag:$0x1], $0x80, s22, s14, $0xb8;
	[tilespmem:$0x17400] =	vst v63  }
0x6d: {  	_ = 	snop  }
0x6e: {  	[spmem:s1] =	stream.indirect.scatter.add.f32 [tilespmem:s13], [sflag:$0x1], $0x80, s23, s14, $0xb8;
	[tilespmem:$0x17400] =	vst v63  }
0x6f: {  	_ = 	snop  }
0x70: {  	[spmem:s1] =	stream.indirect.scatter.add.f32 [tilespmem:s13], [sflag:$0x1], $0x80, s24, s14, $0xb8;
	[tilespmem:$0x17400] =	vst v63  }
0x71: {  	_ = 	snop  }
0x72: {  	[spmem:s1] =	stream.indirect.scatter.add.f32 [tilespmem:s13], [sflag:$0x1], $0x80, s25, s14, $0xb8;
	[tilespmem:$0x17400] =	vst v63  }
0x73: {  	_ = 	snop  }
0x74: {  	[spmem:s1] =	stream.indirect.scatter.add.f32 [tilespmem:s13], [sflag:$0x1], $0x80, s26, s14, $0xb8;
	[tilespmem:$0x17400] =	vst v63  }
0x75: {  	_ = 	snop  }
0x76: {  	[spmem:s1] =	stream.indirect.scatter.add.f32 [tilespmem:s13], [sflag:$0x1], $0x80, s28, s14, $0xb8;
	[tilespmem:$0x17400] =	vst v63  }
0x77: {  	_ = 	snop  }
0x78: {  	[spmem:s1] =	stream.indirect.scatter.add.f32 [tilespmem:s13], [sflag:$0x1], $0x80, s29, s14, $0xb8;
	[tilespmem:$0x17400] =	vst v63  }
0x79: {  	_ = 	snop  }
0x7a: {  	[spmem:s1] =	stream.indirect.scatter.add.f32 [tilespmem:s13], [sflag:$0x1], $0x80, s30, s14, $0xb8;
	[tilespmem:$0x17400] =	vst v63  }
0x7b: {  	_ = 	snop  }
0x7c: {  	[spmem:s1] =	stream.indirect.scatter.add.f32 [tilespmem:s13], [sflag:$0x1], $0x80, s31, s14, $0xb8;
	[tilespmem:$0x17400] =	vst v63  }
0x7d: {  	_ = 	snop  }
0x7e: {  	[spmem:s1] =	stream.indirect.scatter.add.f32 [tilespmem:s13], [sflag:$0x1], $0x80, s0, s14, $0xb8;
	[tilespmem:$0x17400] =	vst v63  }
0x7f: {  	_ =	swait.ge [sflag:s2], $0x2000  }
0x80: {  	s6 =	simm.s32 $0x27;
	[sflag:s2] =	ssyncset.done $0x0  }
.LBB2_5:
0x81: {  	p0 =	sne.s32 s6, $0x1;
	s6 =	sadd.s32 $0xFFFFFFFF, s6;
	[sflag:s2] =	ssyncadd.s32 $0xFFFFE000  }
.Ltmp1:
0x82: {  	(pc) =	sbr.rel @p0 .LBB2_5-.Ltmp1, $3  }
0x83: {  	_ =	sdelay $0x1  }
0x84: {  	_ =	swait.ge [sflag:s2], $0x2000  }
0x85: {  	[sflag:s2] =	ssyncset.done $0x0  }
0x86: {  	s5 =	sadd.s32 $0x1, s5  }
0x87: {  	p0 =	sne.s32 s5, $0x4  }
.Ltmp2:
0x88: {  	_ = 	snop;
	(pc) =	sbr.rel @p0 .LBB2_4-.Ltmp2, $2  }
0x89: {  	_ =	sdelay $0x2  }
0x8a: {  	[sflag:s2] =	ssyncadd.s32 $0xFFFFE000  }
0x8b: {  	s5 =	stileid.u32  }
0x8c: {  	s5 =	sshll.u32 s5, $0x6  }
0x8d: {  	[bflag:$0x0] =	sbarrier.arrive $0xFFFF;
	s5 =	sor.u32 $0x1C02, s5  }
0x8e: {  	[dreg:$0x8] =	wrdreg s5  }
0x8f: {  	s5 =	rddreg [dreg:$0x5]  }
0x90: {  	s6 =	sshrl.u32 s7, $0x3;
	s9 =	rddreg [dreg:$0x8]  }
0x91: {  	[hbm:s5], [sflag:s9] =	dma.local [spmem:s6], $0x2780  }
0x92: {  	_ =	swait.ge [sflag:s12], $0x2780  }
0x93: {  	s5 =	rddreg [dreg:$0x7]  }
0x94: {  	s6 =	sadd.s32 $0x1, s5;
	s5 =	rddreg [dreg:$0x6]  }
0x95: {  	p0 =	sne.s32 s6, s5  }
.Ltmp3:
0x96: {  	_ = 	snop;
	(pc) =	sbr.rel @p0 .LBB2_1-.Ltmp3, $3  }
0x97: {  	_ =	sdelay $0x1  }
0x98: {  	[sflag:s12] =	ssyncset.done $0x0  }
0x99: {  	s9 =	simm.s32 $0xA80;
	[sflag:s12] =	ssyncadd.s32 $0xFFFFD880  }
0x9a: {  	_ =	sfence.sel $0x180000  }
0x9b: {  	[bflag:$0x0] =	sbarrier.arrive $0xFFFF  }
0x9c: {  	_ =	strace $0x90000047  }
0x9d: {  	s0 =	stileid.u32;
	[bflag:$0x2] =	sbarrier.arrive $0xFFFF  }
0x9e: {  	p0 =	sne.s32 s0, $0x0;
	s0 =	rddreg [dreg:$0x2]  }
0x9f: {  	s0 =	sadd.s32 @!p0 $0x100000, s0  }
0xa0: {  	[sflag:s0] =	ssyncadd.tile.s32 @!p0 $0x1;
	_ =	shalt  }
.Lfunc_end2:
_tile_overlayer_lowered:
.L_overlay_start_2:
0xa1: {  	(tag) =	ssettag $0x2  }
0xa2: {  	s0 =	rddreg [dreg:$0x0];
	s2 =	stileid.u32  }
0xa3: {  	s1 =	rddreg [dreg:$0x1];
	p0 =	sne.s32 s2, $0x0  }
0xa4: {  	s3 =	rddreg [dreg:$0x2];
	[bflag:$0x3] =	sbarrier.arrive $0xFFFF;
	s2 =	simm.s32 @!p0 $0x1C02  }
0xa5: {  	[timem:s3], [sflag:s2] =	dma.local @!p0 [hbm:s0], s1  }
0xa6: {  	s0 =	simm.s32 @!p0 $0x2  }
0xa7: {  	_ =	swait.ge @!p0 [sflag:s0], s1  }
0xa8: {  	s1 =	ssub.s32 @!p0 $0x0, s1;
	[sflag:s0] =	ssyncset.done @!p0 $0x0  }
0xa9: {  	[sflag:s0] =	ssyncadd.s32 @!p0 s1  }
0xaa: {  	[bflag:$0x3] =	sbarrier.arrive $0xFFFF  }
0xab: {  	_ =	shalt  }

// kernel: kernel.13.cloned.1.call-start
scs
__scs_entry_jumppad:
0x0: {  	(pc) =	sbr.rel $0x88, $3  }
0x1: {  	(tag) =	ssettag $0x0;
	lr =	simm.s32 $0x1  }
0x2: {  	[smem:$0x3F99] =	sst lr;
	_ =	strace $0xD0000000  }
0x3: {  	_ = 	snop  }
0x4: {  	_ = 	snop  }
0x5: {  	_ = 	snop  }
0x6: {  	_ = 	snop  }
0x7: {  	_ = 	snop  }
__scs_overlays_trampoline_lowered:
0x8: {  	[smem:$0x3FA8] =	sst s0  }
0x9: {  	[smem:$0x3FA9] =	sst s1  }
0xa: {  	[smem:$0x3FAA] =	sst s2  }
0xb: {  	[smem:$0x3FAB] =	sst s3  }
0xc: {  	[smem:$0x3FAC] =	sst s4  }
0xd: {  	[smem:$0x3FAD] =	sst s5  }
0xe: {  	[smem:$0x3FAE] =	sst s6  }
0xf: {  	[smem:$0x3FAF] =	sst s7  }
0x10: {  	[smem:$0x3FB0] =	sst s8  }
0x11: {  	[smem:$0x3FB1] =	sst s9;
	s0 =	simm.s32 @!p0 $0x0  }
0x12: {  	s1 =	sld [smem:$0x3F97];
	s0 =	simm.s32 @p0 $0x1  }
0x13: {  	[smem:$0x3FB2] =	sst s0;
	s0 =	simm.s32 @!p1 $0x0  }
0x14: {  	s2 =	sld [smem:$0x3F96];
	s0 =	simm.s32 @p1 $0x1  }
0x15: {  	[smem:$0x3FB3] =	sst s0;
	s0 =	simm.s32 @!p2 $0x0  }
0x16: {  	s3 =	sld [smem:$0x3FDB];
	s0 =	simm.s32 @p2 $0x1  }
0x17: {  	s4 =	simm.s32 $0x1BF5;
	[smem:$0x3FB5] =	sst s0  }
0x18: {  	s0 =	sld [smem:$0x3F98];
	_ =	swait.ge [sflag:s4], $0x0  }
0x19: {  	s7 =	sld [smem:$0x3F99]  }
0x1a: {  	s8 =	sadd.s32 $0xFFFFE003, lr  }
0x1b: {  	s9 =	sadd.s32 $0xFFFFFEF7, lr;
	s5 =	simm.s32 $0xFFFFFFFF;
	p2 =	slt.u32 s8, $0xFFFFF086  }
0x1c: {  	p1 =	slt.u32 s9, $0xF7A;
	s5 =	simm.s32 @!p2 $0x0  }
0x1d: {  	s5 =	simm.s32 @p1 $0x1;
	p0 =	seq.s32 s7, s2  }
0x1e: {  	s7 =	smul.u32 @!p0 $0xF7A, s2;
	p2 =	seq.s32 @!p0 s5, $0x0  }
0x1f: {  	s9 =	smul.u32 $0xF7A, s1;
	s8 =	simm.s32 @!p0 $0x1BF5;
	p2 =	por !p2, p0  }
0x20: {  	[sflag:s8] =	ssyncset.s32 @!p0 $0xFFFFF086;
	s6 =	sadd.s32 @!p0 s3, s7;
	s7 =	simm.s32 @!p0 $0x108  }
0x21: {  	s3 =	sadd.s32 s3, s9;
	s6 =	sadd.s32 @!p0 $0x88, s6;
	s7 =	simm.s32 @p2 $0x1082  }
0x22: {  	[simem:s7], [sflag:s8] =	dma.local @!p0 [hbm:s6], $0xF7A  }
0x23: {  	s9 =	sor.u32 $0xD0000000, s2;
	s6 =	simm.s32 $0x108;
	_ =	swait.ge @!p0 [sflag:s8], $0x0  }
0x24: {  	s3 =	sadd.s32 $0x88, s3;
	s6 =	simm.s32 @!p1 $0x1082;
	[sflag:s4] =	ssyncset.s32 $0xFFFFF086  }
0x25: {  	[simem:s6], [sflag:s4] =	dma.local [hbm:s3], $0xF7A  }
0x26: {  	[smem:$0x3F99] =	sst s1;
	(tag) =	ssettag s2;
	_ =	strace s9  }
0x27: {  	s1 =	sld [smem:$0x3FA9]  }
0x28: {  	s2 =	sld [smem:$0x3FAA]  }
0x29: {  	s4 =	sld [smem:$0x3FAC]  }
0x2a: {  	p0 =	seq.s32 s5, $0x0;
	s5 =	sld [smem:$0x3FAD]  }
0x2b: {  	s6 =	sld [smem:$0x3FAE]  }
0x2c: {  	s7 =	sld [smem:$0x3FAF]  }
0x2d: {  	s3 =	simm.s32 $0x108;
	s8 =	sld [smem:$0x3FB0]  }
0x2e: {  	s3 =	simm.s32 @!p0 $0x1082;
	s9 =	sld [smem:$0x3FB1]  }
0x2f: {  	lr =	sadd.s32 s0, s3;
	s0 =	sld [smem:$0x3FA8]  }
0x30: {  	s3 =	sld [smem:$0x3FAB]  }
0x31: {  	[smem:$0x3FB4] =	sst s10  }
0x32: {  	s10 =	sld [smem:$0x3FB2];
	_ =	sdelay $0x3  }
0x33: {  	p0 =	seq.s32 s10, $0x1;
	s10 =	sld [smem:$0x3FB4];
	_ =	sdelay $0x3  }
0x34: {  	[smem:$0x3FB4] =	sst s10  }
0x35: {  	s10 =	sld [smem:$0x3FB3];
	_ =	sdelay $0x3  }
0x36: {  	p1 =	seq.s32 s10, $0x1;
	s10 =	sld [smem:$0x3FB4];
	_ =	sdelay $0x3  }
0x37: {  	[smem:$0x3FB4] =	sst s10  }
0x38: {  	s10 =	sld [smem:$0x3FB5]  }
0x39: {  	_ = 	snop;
	(pc) =	sbr.ind lr, $3  }
0x3a: {  	_ = 	snop  }
0x3b: {  	_ = 	snop  }
0x3c: {  	p2 =	seq.s32 s10, $0x1;
	s10 =	sld [smem:$0x3FB4]  }
0x3d: {  	_ =	shalt  }
0x3e: {  	_ =	shalt  }
0x3f: {  	_ =	shalt  }
0x40: {  	_ =	shalt  }
0x41: {  	_ =	shalt  }
0x42: {  	_ =	shalt  }
0x43: {  	_ =	shalt  }
0x44: {  	_ =	shalt  }
0x45: {  	_ =	shalt  }
0x46: {  	_ =	shalt  }
0x47: {  	_ =	shalt  }
0x48: {  	_ =	shalt  }
0x49: {  	_ =	shalt  }
0x4a: {  	_ =	shalt  }
0x4b: {  	_ =	shalt  }
0x4c: {  	_ =	shalt  }
0x4d: {  	_ =	shalt  }
0x4e: {  	_ =	shalt  }
0x4f: {  	_ =	shalt  }
0x50: {  	_ =	shalt  }
0x51: {  	_ =	shalt  }
0x52: {  	_ =	shalt  }
0x53: {  	_ =	shalt  }
0x54: {  	_ =	shalt  }
0x55: {  	_ =	shalt  }
0x56: {  	_ =	shalt  }
0x57: {  	_ =	shalt  }
0x58: {  	_ =	shalt  }
0x59: {  	_ =	shalt  }
0x5a: {  	_ =	shalt  }
0x5b: {  	_ =	shalt  }
0x5c: {  	_ =	shalt  }
0x5d: {  	_ =	shalt  }
0x5e: {  	_ =	shalt  }
0x5f: {  	_ =	shalt  }
0x60: {  	_ =	shalt  }
0x61: {  	_ =	shalt  }
0x62: {  	_ =	shalt  }
0x63: {  	_ =	shalt  }
0x64: {  	_ =	shalt  }
0x65: {  	_ =	shalt  }
0x66: {  	_ =	shalt  }
0x67: {  	_ =	shalt  }
0x68: {  	_ =	shalt  }
0x69: {  	_ =	shalt  }
0x6a: {  	_ =	shalt  }
0x6b: {  	_ =	shalt  }
0x6c: {  	_ =	shalt  }
0x6d: {  	_ =	shalt  }
0x6e: {  	_ =	shalt  }
0x6f: {  	_ =	shalt  }
0x70: {  	_ =	shalt  }
0x71: {  	_ =	shalt  }
0x72: {  	_ =	shalt  }
0x73: {  	_ =	shalt  }
0x74: {  	_ =	shalt  }
0x75: {  	_ =	shalt  }
0x76: {  	_ =	shalt  }
0x77: {  	_ =	shalt  }
0x78: {  	_ =	shalt  }
0x79: {  	_ =	shalt  }
0x7a: {  	_ =	shalt  }
0x7b: {  	_ =	shalt  }
0x7c: {  	_ =	shalt  }
0x7d: {  	_ =	shalt  }
0x7e: {  	_ =	shalt  }
0x7f: {  	_ =	shalt  }
0x80: {  	_ =	shalt  }
0x81: {  	_ =	shalt  }
0x82: {  	_ =	shalt  }
0x83: {  	_ =	shalt  }
0x84: {  	_ =	shalt  }
0x85: {  	_ =	shalt  }
0x86: {  	_ =	shalt  }
0x87: {  	_ =	shalt  }
.Lfunc_end0:
.L_simem_size_0:
called_computation.2_lowered:
.L_overlay_start_0:
0x88: {  	s2 =	sld [smem:$0x3FD9]  }
0x89: {  	s3 =	sld [smem:$0x3FFE];
	_ =	sdelay $0x1  }
0x8a: {  	s1 =	srdreg.scid  }
0x8b: {  	s0 =	sand.u32 $0x1, s1  }
0x8c: {  	s16 =	sshll.u32 s0, $0xA;
	s2 =	sadd.s32 s3, s2  }
0x8d: {  	s2 =	sadd.s32 s2, s16  }
0x8e: {  	[smem:$0x3FC0] =	sst s2  }
0x8f: {  	_ = 	snop  }
0x90: {  	(tm) =	ssettm $0x1  }
0x91: {  	s17 =	sld [smem:$0x3FFB];
	_ =	sdelay $0x3  }
0x92: {  	_ =	strace s17  }
0x93: {  	s2 =	sld [smem:$0x3FFC];
	_ =	sdelay $0x3  }
0x94: {  	_ =	strace s2  }
0x95: {  	s2 =	sld [smem:$0x3FFD];
	_ =	sdelay $0x3  }
0x96: {  	_ =	strace s2  }
0x97: {  	_ =	strace $0x8FFFFFFF  }
0x98: {  	s18 =	sld [smem:$0x3FDB];
	_ =	sdelay $0x1  }
0x99: {  	s19 =	simm.s32 $_scs_section_size  }
0x9a: {  	s4 =	simm.s32 $_size__tile_overlayer_lowered;
	s5 =	simm.s32 $_tile_overlayer_lowered  }
0x9b: {  	s22 =	simm.s32 $0x1BFF;
	s21 =	sshll.u32 s5, $0x1;
	s2 =	sadd.s32 s19, s18  }
0x9c: {  	s6 =	simm.s32 $0x0;
	s20 =	sshll.u32 s4, $0x1;
	s4 =	sadd.s32 s21, s2  }
0x9d: {  	[timem:s6], [sflag:s22] =	dma.local [hbm:s4], s20  }
0x9e: {  	_ =	swait.ge [sflag:s22], s20  }
0x9f: {  	s3 =	ssub.s32 $0x0, s20;
	[sflag:s22] =	ssyncset.done $0x0  }
0xa0: {  	[sflag:s22] =	ssyncadd.s32 s3;
	_ =	sdelay $0x1  }
0xa1: {  	s23 =	simm.s32 $0x1B8B  }
0xa2: {  	_ =	swait.ge [sflag:s23], $0x1  }
0xa3: {  	[sflag:s23] =	ssyncset.done $0x0  }
0xa4: {  	s25 =	simm.s32 $0x1B8E;
	s24 =	sld [smem:$0x3FFE];
	[sflag:s23] =	ssyncadd.s32 $0xFFFFFFFF  }
0xa5: {  	s26 =	simm.s32 $execute0_lowered;
	[smem:$0x3FD2] =	sst s25  }
0xa6: {  	s4 =	sshll.u32 s26, $0x1;
	_ =	strace $0x8000004C;
	[dreg:$0x1] =	wrdreg $0xFFFFFFFF  }
0xa7: {  	s28 =	simm.s32 $_size_execute0_lowered;
	s2 =	sadd.s32 s2, s4;
	[dreg:$0x0] =	wrdreg $0x0  }
0xa8: {  	s4 =	sshll.u32 s28, $0x1;
	[dreg:$0x2] =	wrdreg s2  }
0xa9: {  	[dreg:$0x3] =	wrdreg s4  }
0xaa: {  	[dreg:$0x4] =	wrdreg $0xC0  }
0xab: {  	_ =	task [dreg:s6], $0x5FFFF  }
0xac: {  	[dreg:$0x1] =	wrdreg $0xFFFFFFFF  }
0xad: {  	[dreg:$0x0] =	wrdreg $0x60  }
0xae: {  	[dreg:$0x2] =	wrdreg s24  }
0xaf: {  	[dreg:$0x3] =	wrdreg $0x6C000  }
0xb0: {  	[dreg:$0x4] =	wrdreg $0x9  }
0xb1: {  	_ =	task.clear_ibuf [dreg:s6], $0x5FFFF;
	_ =	strace $0x9000004C  }
0xb2: {  	s29 =	simm.s32 $0x9;
	_ =	strace $0x8000004E  }
0xb3: {  	_ =	swait.ge [sflag:s29], $0x1  }
0xb4: {  	[sflag:s29] =	ssyncadd.s32 $0xFFFFFFFF  }
0xb5: {  	_ =	strace $0x9000004E  }
0xb6: {  	_ =	sfence  }
0xb7: {  	s30 =	sld [smem:$0x0];
	_ =	sdelay $0x2  }
0xb8: {  	s31 =	sshll.u32 s1, $0xD;
	s1 =	sshrl.u32 s1, $0x2  }
0xb9: {  	s3 =	sand.u32 $0x4000, s31;
	s1 =	sadd.s32 s1, s30  }
0xba: {  	s0 =	sor.u32 s3, s0;
	s1 =	sshll.u32 s1, $0x11  }
0xbb: {  	s0 =	sor.u32 s1, s0  }
0xbc: {  	s0 =	sadd.s32 $0x8F2B, s0  }
0xbd: {  	[sflag:s0] =	ssyncadd.remote.s32 $0x1  }
0xbe: {  	_ =	sfence.sel $0xFFFF  }
0xbf: {  	[dreg:$0x0] =	wrdreg $0xFFFFFFFF;
	(pc) =	sbr.abs _section_cstart, $3  }
0xc0: {  	[dreg:$0x1] =	wrdreg $0xFFFFFFFF  }
0xc1: {  	_ =	task.clear_ibuf [dreg:s6], $0x2FFFF;
	_ =	strace $0x9FFFFFFF  }
0xc2: {  	(tm) =	ssettm $0x7FFFFFFF  }
0xc3: {  	_ =	shalt  }
tec
execute0_lowered:
.L_overlay_start_1:
0x0: {  	(tag) =	ssettag $0x1  }
0x1: {  	s8 =	rddreg [dreg:$0x0]  }
0x2: {  	s1 =	rddreg [dreg:$0x1];
	s0 =	simm.s32 $0x0;
	s5 =	srdreg.scid  }
0x3: {  	s2 =	stileid.u32;
	s18 =	simm.s32 $0x40;
	s19 =	simm.s32 $0x2800  }
0x4: {  	s20 =	simm.s32 $0x1;
	s21 =	simm.s32 $0x4800;
	s22 =	simm.s32 $0x1380  }
0x5: {  	s23 =	simm.s32 $0x2700;
	s24 =	simm.s32 $0x2780;
	s25 =	simm.s32 $0x0  }
0x6: {  	[smem:$0x7FF] =	sst s0;
	s4 =	sadd.s32 $0xE6C00, s8;
	s10 =	smul.u32 $0x4F000, s2  }
0x7: {  	s9 =	sand.u32 $0x1, s5;
	s5 =	sadd.s32 $0xBEC00, s8;
	s12 =	smul.u32 $0x13C00, s2  }
0x8: {  	s6 =	sadd.s32 $0x3400, s8;
	s13 =	sadd.s32 $0x184C00, s8;
	s11 =	smul.u32 $0xA0000, s9  }
0x9: {  	s7 =	sadd.s32 $0xD400, s8;
	_ =	strace $0x8000004D;
	s14 =	smul.u32 $0x278000, s9  }
0xa: {  	s28 =	ssub.s32 $0x2, s9;
	s15 =	sshllo.u32 s9, $0x1;
	s9 =	smul.u32 $0x5000, s2  }
0xb: {  	s29 =	sshrl.u32 s28, $0x1;
	s10 =	sshrl.u32 s10, $0x2;
	s16 =	smul.u32 $0x13C000, s15  }
0xc: {  	s15 =	smul.u32 $0x50000, s15;
	s17 =	ssub.s32 s28, s29;
	s8 =	sadd.s32 s10, s1  }
0xd: {  	s14 =	sadd.s32 s12, s14;
	s10 =	sadd.s32 s11, s9;
	s12 =	sadd.s32 s12, s16  }
0xe: {  	s30 =	sshrl.u32 s14, $0x3;
	s14 =	smax.u32 s17, $0x1;
	s16 =	simm.s32 $0x2  }
0xf: {  	s17 =	simm.s32 $0x1400;
	s31 =	sshrl.u32 s12, $0x3;
	s11 =	sadd.s32 s13, s30  }
0x10: {  	s12 =	sadd.s32 s15, s9;
	s15 =	simm.s32 $0x6800;
	s13 =	sadd.s32 s13, s31  }
.LBB2_1:
0x11: {  	s0 =	simm.s32 $0x0  }
0x12: {  	[tilespmem:s15], [sflag:$0x2] =	stream.linear.gather [hbm4b:s7+s0], $0x400, $0x38;
	[tilespmem:$0x1A800] =	vst v63  }
0x13: {  	_ =	swait.ge [sflag:s16], $0x400  }
0x14: {  	[sflag:s16] =	ssyncset.done $0x0  }
0x15: {  	s26 =	sadd.s32 $0x0, s8;
	[sflag:s16] =	ssyncadd.s32 $0xFFFFFC00  }
0x16: {  	[spmem:s26] =	stream.linear.scatter [tilespmem:s15], [sflag:$0x2], $0x400, $0x38;
	[tilespmem:$0x1A800] =	vst v63  }
0x17: {  	s26 =	simm.s32 $0x1000;
	_ =	swait.ge [sflag:s16], $0x400  }
.LBB2_2:
0x18: {  	s28 =	sshra.s32 s26, $0x2;
	[sflag:s16] =	ssyncset.done $0x0;
	p0 =	sne.s32 s26, $0x4E000  }
.Ltmp0:
0x19: {  	s28 =	sadd.s32 s28, s8;
	[sflag:s16] =	ssyncadd.s32 $0xFFFFFC00;
	(pc) =	sbr.rel @p0 .LBB2_2-.Ltmp0, $3  }
0x1a: {  	[spmem:s28] =	stream.linear.scatter [tilespmem:s15], [sflag:$0x2], $0x400, $0x38;
	[tilespmem:$0x1A800] =	vst v63  }
0x1b: {  	s26 =	sadd.s32 $0x1000, s26;
	_ =	sdelay $0x1  }
0x1c: {  	_ =	swait.ge [sflag:s16], $0x400  }
0x1d: {  	[sflag:s16] =	ssyncset.done $0x0  }
0x1e: {  	[sflag:s16] =	ssyncadd.s32 $0xFFFFFC00  }
0x1f: {  	s26 =	simm.s32 $0x0;
	s28 =	simm.s32 $0x0;
	[bflag:$0x0] =	sbarrier.arrive $0xFFFF  }
.LBB2_4:
0x20: {  	s29 =	smul.u32 $0x1400, s28;
	_ =	sdelay $0x1  }
0x21: {  	s30 =	sadd.s32 s10, s29  }
0x22: {  	s30 =	sshrl.u32 s30, $0x3  }
0x23: {  	s30 =	sadd.s32 s5, s30  }
0x24: {  	[tilespmem:s26], [sflag:$0x2] =	stream.linear.gather [hbm4b:s30+s26], $0x1400, $0x38;
	[tilespmem:$0x1A800] =	vst v63  }
0x25: {  	s29 =	sadd.s32 s9, s29;
	_ =	swait.ge [sflag:s16], $0x1400  }
0x26: {  	s29 =	sshrl.u32 s29, $0x3;
	[sflag:s16] =	ssyncset.done $0x0  }
0x27: {  	s29 =	sadd.s32 s6, s29;
	[sflag:s16] =	ssyncadd.s32 $0xFFFFEC00  }
0x28: {  	[tilespmem:s17], [sflag:$0x2] =	stream.linear.gather [hbm4b:s29+s26], $0x1400, $0x38;
	[tilespmem:$0x1A800] =	vst v63  }
0x29: {  	_ =	swait.ge [sflag:s16], $0x1400  }
0x2a: {  	[sflag:s16] =	ssyncset.done $0x0  }
0x2b: {  	[sflag:s16] =	ssyncadd.s32 $0xFFFFEC00  }
0x2c: {  	[tilespmem:s19], [sflag:$0x1] =	stream.indirect.gather [hbm4b:s4+s18], $0x80, s26, s18, $0xb8;
	[tilespmem:$0x1A800] =	vst v63  }
0x2d: {  	_ =	swait.ge [sflag:s20], $0x2000  }
0x2e: {  	[sflag:s20] =	ssyncset.done $0x0  }
0x2f: {  	s29 =	simm.s32 $0x80;
	[sflag:s20] =	ssyncadd.s32 $0xFFFFE000  }
0x30: {  	[tilespmem:s21], [sflag:$0x1] =	stream.indirect.gather [hbm4b:s4+s18], $0x80, s29, s18, $0xb8;
	[tilespmem:$0x1A800] =	vst v63  }
0x31: {  	s29 =	simm.s32 $0x1400  }
0x32: {  	[spmem:s1] =	stream.indirect.scatter.add.f32 [tilespmem:s19], [sflag:$0x2], $0x80, s29, s18, $0xb8;
	[tilespmem:$0x1A800] =	vst v63  }
0x33: {  	_ =	swait.ge [sflag:s16], $0x2000  }
0x34: {  	[sflag:s16] =	ssyncset.done $0x0  }
0x35: {  	[sflag:s16] =	ssyncadd.s32 $0xFFFFE000  }
0x36: {  	_ =	swait.ge [sflag:s20], $0x2000  }
0x37: {  	[sflag:s20] =	ssyncset.done $0x0  }
0x38: {  	s29 =	simm.s32 $0x100;
	[sflag:s20] =	ssyncadd.s32 $0xFFFFE000  }
0x39: {  	[tilespmem:s19], [sflag:$0x1] =	stream.indirect.gather [hbm4b:s4+s18], $0x80, s29, s18, $0xb8;
	[tilespmem:$0x1A800] =	vst v63  }
0x3a: {  	s29 =	simm.s32 $0x1480  }
0x3b: {  	[spmem:s1] =	stream.indirect.scatter.add.f32 [tilespmem:s21], [sflag:$0x2], $0x80, s29, s18, $0xb8;
	[tilespmem:$0x1A800] =	vst v63  }
0x3c: {  	_ =	swait.ge [sflag:s16], $0x2000  }
0x3d: {  	s29 =	simm.s32 $0x400;
	[sflag:s16] =	ssyncset.done $0x0  }
.LBB2_5:
0x3e: {  	p0 =	sne.s32 s29, $0x4800  }
0x3f: {  	[sflag:s16] =	ssyncadd.s32 $0xFFFFE000;
	s30 =	smov.u32 s29;
	s29 =	sadd.s32 $0x400, s29  }
0x40: {  	_ = 	snop  }
0x41: {  	_ =	swait.ge [sflag:s20], $0x2000  }
0x42: {  	s30 =	sshra.s32 s30, $0x2;
	[sflag:s20] =	ssyncset.done $0x0  }
0x43: {  	s31 =	sadd.s32 $0x80, s30;
	[sflag:s20] =	ssyncadd.s32 $0xFFFFE000  }
0x44: {  	[tilespmem:s21], [sflag:$0x1] =	stream.indirect.gather [hbm4b:s4+s18], $0x80, s31, s18, $0xb8;
	[tilespmem:$0x1A800] =	vst v63  }
0x45: {  	s31 =	sadd.s32 $0x1400, s30  }
0x46: {  	[spmem:s1] =	stream.indirect.scatter.add.f32 [tilespmem:s19], [sflag:$0x2], $0x80, s31, s18, $0xb8;
	[tilespmem:$0x1A800] =	vst v63  }
0x47: {  	_ =	swait.ge [sflag:s16], $0x2000  }
0x48: {  	[sflag:s16] =	ssyncset.done $0x0  }
0x49: {  	[sflag:s16] =	ssyncadd.s32 $0xFFFFE000  }
0x4a: {  	_ =	swait.ge [sflag:s20], $0x2000  }
0x4b: {  	[sflag:s20] =	ssyncset.done $0x0  }
0x4c: {  	s31 =	sadd.s32 $0x100, s30;
	[sflag:s20] =	ssyncadd.s32 $0xFFFFE000  }
0x4d: {  	[tilespmem:s19], [sflag:$0x1] =	stream.indirect.gather [hbm4b:s4+s18], $0x80, s31, s18, $0xb8;
	[tilespmem:$0x1A800] =	vst v63  }
.Ltmp1:
0x4e: {  	_ = 	snop;
	(pc) =	sbr.rel @p0 .LBB2_5-.Ltmp1, $4  }
0x4f: {  	s30 =	sadd.s32 $0x1480, s30  }
0x50: {  	[spmem:s1] =	stream.indirect.scatter.add.f32 [tilespmem:s21], [sflag:$0x2], $0x80, s30, s18, $0xb8;
	[tilespmem:$0x1A800] =	vst v63  }
0x51: {  	_ =	swait.ge [sflag:s16], $0x2000  }
0x52: {  	[sflag:s16] =	ssyncset.done $0x0  }
0x53: {  	[sflag:s16] =	ssyncadd.s32 $0xFFFFE000  }
0x54: {  	_ =	swait.ge [sflag:s20], $0x2000  }
0x55: {  	[sflag:s20] =	ssyncset.done $0x0  }
0x56: {  	[sflag:s20] =	ssyncadd.s32 $0xFFFFE000  }
0x57: {  	[tilespmem:s21], [sflag:$0x1] =	stream.indirect.gather [hbm4b:s4+s18], $0x80, s22, s18, $0xb8;
	[tilespmem:$0x1A800] =	vst v63  }
0x58: {  	_ = 	snop  }
0x59: {  	[spmem:s1] =	stream.indirect.scatter.add.f32 [tilespmem:s19], [sflag:$0x2], $0x80, s23, s18, $0xb8;
	[tilespmem:$0x1A800] =	vst v63  }
0x5a: {  	_ =	swait.ge [sflag:s16], $0x2000  }
0x5b: {  	[sflag:s16] =	ssyncset.done $0x0  }
0x5c: {  	[sflag:s16] =	ssyncadd.s32 $0xFFFFE000  }
0x5d: {  	_ =	swait.ge [sflag:s20], $0x2000  }
0x5e: {  	[sflag:s20] =	ssyncset.done $0x0  }
0x5f: {  	[sflag:s20] =	ssyncadd.s32 $0xFFFFE000  }
0x60: {  	[tilespmem:s19], [sflag:$0x1] =	stream.indirect.gather [hbm4b:s4+s18], $0x80, s22, s18, $0xb8;
	[tilespmem:$0x1A800] =	vst v63  }
0x61: {  	s28 =	sadd.s32 $0x1, s28  }
0x62: {  	[spmem:s1] =	stream.indirect.scatter.add.f32 [tilespmem:s21], [sflag:$0x2], $0x80, s24, s18, $0xb8;
	[tilespmem:$0x1A800] =	vst v63  }
0x63: {  	p0 =	sne.s32 s28, $0x4;
	_ =	swait.ge [sflag:s16], $0x2000  }
.Ltmp2:
0x64: {  	[sflag:s16] =	ssyncset.done $0x0;
	(pc) =	sbr.rel @p0 .LBB2_4-.Ltmp2, $4  }
0x65: {  	[sflag:s16] =	ssyncadd.s32 $0xFFFFE000  }
0x66: {  	_ =	swait.ge [sflag:s20], $0x2000  }
0x67: {  	[sflag:s20] =	ssyncset.done $0x0  }
0x68: {  	[sflag:s20] =	ssyncadd.s32 $0xFFFFE000  }
0x69: {  	s26 =	sshll.u32 s2, $0x6  }
0x6a: {  	[bflag:$0x0] =	sbarrier.arrive $0xFFFF;
	s28 =	sshrl.u32 s8, $0x3;
	s26 =	sor.u32 $0x1C02, s26  }
0x6b: {  	[hbm:s11], [sflag:s26] =	dma.local [spmem:s28], $0x2780  }
0x6c: {  	_ =	swait.ge [sflag:s16], $0x2780  }
0x6d: {  	[sflag:s16] =	ssyncset.done $0x0  }
0x6e: {  	[sflag:s16] =	ssyncadd.s32 $0xFFFFD880  }
0x6f: {  	s29 =	sadd.s32 $0x0, s8;
	[bflag:$0x0] =	sbarrier.arrive $0xFFFF  }
0x70: {  	[spmem:s29] =	stream.linear.scatter [tilespmem:s15], [sflag:$0x2], $0x400, $0x38;
	[tilespmem:$0x1A800] =	vst v63  }
0x71: {  	s29 =	simm.s32 $0x1000;
	_ =	swait.ge [sflag:s16], $0x400  }
.LBB2_8:
0x72: {  	s30 =	sshra.s32 s29, $0x2;
	[sflag:s16] =	ssyncset.done $0x0;
	p0 =	sne.s32 s29, $0x4E000  }
.Ltmp3:
0x73: {  	s30 =	sadd.s32 s30, s8;
	[sflag:s16] =	ssyncadd.s32 $0xFFFFFC00;
	(pc) =	sbr.rel @p0 .LBB2_8-.Ltmp3, $3  }
0x74: {  	[spmem:s30] =	stream.linear.scatter [tilespmem:s15], [sflag:$0x2], $0x400, $0x38;
	[tilespmem:$0x1A800] =	vst v63  }
0x75: {  	s29 =	sadd.s32 $0x1000, s29;
	_ =	sdelay $0x1  }
0x76: {  	_ =	swait.ge [sflag:s16], $0x400  }
0x77: {  	[sflag:s16] =	ssyncset.done $0x0  }
0x78: {  	[sflag:s16] =	ssyncadd.s32 $0xFFFFFC00  }
0x79: {  	s29 =	simm.s32 $0x0;
	s30 =	simm.s32 $0x0;
	[bflag:$0x0] =	sbarrier.arrive $0xFFFF  }
.LBB2_10:
0x7a: {  	s31 =	smul.u32 $0x1400, s30;
	_ =	sdelay $0x1  }
0x7b: {  	s0 =	sadd.s32 s12, s31  }
0x7c: {  	s0 =	sshrl.u32 s0, $0x3  }
0x7d: {  	s0 =	sadd.s32 s5, s0  }
0x7e: {  	[tilespmem:s29], [sflag:$0x2] =	stream.linear.gather [hbm4b:s0+s29], $0x1400, $0x38;
	[tilespmem:$0x1A800] =	vst v63  }
0x7f: {  	s3 =	sadd.s32 s9, s31;
	_ =	swait.ge [sflag:s16], $0x1400  }
0x80: {  	s0 =	sshrl.u32 s3, $0x3;
	[sflag:s16] =	ssyncset.done $0x0  }
0x81: {  	s0 =	sadd.s32 s6, s0;
	[sflag:s16] =	ssyncadd.s32 $0xFFFFEC00  }
0x82: {  	[tilespmem:s17], [sflag:$0x2] =	stream.linear.gather [hbm4b:s0+s29], $0x1400, $0x38;
	[tilespmem:$0x1A800] =	vst v63  }
0x83: {  	_ =	swait.ge [sflag:s16], $0x1400  }
0x84: {  	[sflag:s16] =	ssyncset.done $0x0  }
0x85: {  	[sflag:s16] =	ssyncadd.s32 $0xFFFFEC00  }
0x86: {  	[tilespmem:s19], [sflag:$0x1] =	stream.indirect.gather [hbm4b:s4+s18], $0x80, s29, s18, $0xb8;
	[tilespmem:$0x1A800] =	vst v63  }
0x87: {  	_ =	swait.ge [sflag:s20], $0x2000  }
0x88: {  	[sflag:s20] =	ssyncset.done $0x0  }
0x89: {  	s3 =	simm.s32 $0x80;
	[sflag:s20] =	ssyncadd.s32 $0xFFFFE000  }
0x8a: {  	[tilespmem:s21], [sflag:$0x1] =	stream.indirect.gather [hbm4b:s4+s18], $0x80, s3, s18, $0xb8;
	[tilespmem:$0x1A800] =	vst v63  }
0x8b: {  	s3 =	simm.s32 $0x1400  }
0x8c: {  	[spmem:s1] =	stream.indirect.scatter.add.f32 [tilespmem:s19], [sflag:$0x2], $0x80, s3, s18, $0xb8;
	[tilespmem:$0x1A800] =	vst v63  }
0x8d: {  	_ =	swait.ge [sflag:s16], $0x2000  }
0x8e: {  	[sflag:s16] =	ssyncset.done $0x0  }
0x8f: {  	[sflag:s16] =	ssyncadd.s32 $0xFFFFE000  }
0x90: {  	_ =	swait.ge [sflag:s20], $0x2000  }
0x91: {  	[sflag:s20] =	ssyncset.done $0x0  }
0x92: {  	s3 =	simm.s32 $0x100;
	[sflag:s20] =	ssyncadd.s32 $0xFFFFE000  }
0x93: {  	[tilespmem:s19], [sflag:$0x1] =	stream.indirect.gather [hbm4b:s4+s18], $0x80, s3, s18, $0xb8;
	[tilespmem:$0x1A800] =	vst v63  }
0x94: {  	s3 =	simm.s32 $0x1480  }
0x95: {  	[spmem:s1] =	stream.indirect.scatter.add.f32 [tilespmem:s21], [sflag:$0x2], $0x80, s3, s18, $0xb8;
	[tilespmem:$0x1A800] =	vst v63  }
0x96: {  	_ =	swait.ge [sflag:s16], $0x2000  }
0x97: {  	s31 =	simm.s32 $0x400;
	[sflag:s16] =	ssyncset.done $0x0  }
.LBB2_11:
0x98: {  	p0 =	sne.s32 s31, $0x4800  }
0x99: {  	[sflag:s16] =	ssyncadd.s32 $0xFFFFE000;
	s0 =	smov.u32 s31;
	s31 =	sadd.s32 $0x400, s31  }
0x9a: {  	_ = 	snop  }
0x9b: {  	_ =	swait.ge [sflag:s20], $0x2000  }
0x9c: {  	s0 =	sshra.s32 s0, $0x2;
	[sflag:s20] =	ssyncset.done $0x0  }
0x9d: {  	s3 =	sadd.s32 $0x80, s0;
	[sflag:s20] =	ssyncadd.s32 $0xFFFFE000  }
0x9e: {  	[tilespmem:s21], [sflag:$0x1] =	stream.indirect.gather [hbm4b:s4+s18], $0x80, s3, s18, $0xb8;
	[tilespmem:$0x1A800] =	vst v63  }
0x9f: {  	s3 =	sadd.s32 $0x1400, s0  }
0xa0: {  	[spmem:s1] =	stream.indirect.scatter.add.f32 [tilespmem:s19], [sflag:$0x2], $0x80, s3, s18, $0xb8;
	[tilespmem:$0x1A800] =	vst v63  }
0xa1: {  	_ =	swait.ge [sflag:s16], $0x2000  }
0xa2: {  	[sflag:s16] =	ssyncset.done $0x0  }
0xa3: {  	[sflag:s16] =	ssyncadd.s32 $0xFFFFE000  }
0xa4: {  	_ =	swait.ge [sflag:s20], $0x2000  }
0xa5: {  	[sflag:s20] =	ssyncset.done $0x0  }
0xa6: {  	s3 =	sadd.s32 $0x100, s0;
	[sflag:s20] =	ssyncadd.s32 $0xFFFFE000  }
0xa7: {  	[tilespmem:s19], [sflag:$0x1] =	stream.indirect.gather [hbm4b:s4+s18], $0x80, s3, s18, $0xb8;
	[tilespmem:$0x1A800] =	vst v63  }
.Ltmp4:
0xa8: {  	_ = 	snop;
	(pc) =	sbr.rel @p0 .LBB2_11-.Ltmp4, $4  }
0xa9: {  	s0 =	sadd.s32 $0x1480, s0  }
0xaa: {  	[spmem:s1] =	stream.indirect.scatter.add.f32 [tilespmem:s21], [sflag:$0x2], $0x80, s0, s18, $0xb8;
	[tilespmem:$0x1A800] =	vst v63  }
0xab: {  	_ =	swait.ge [sflag:s16], $0x2000  }
0xac: {  	[sflag:s16] =	ssyncset.done $0x0  }
0xad: {  	[sflag:s16] =	ssyncadd.s32 $0xFFFFE000  }
0xae: {  	_ =	swait.ge [sflag:s20], $0x2000  }
0xaf: {  	[sflag:s20] =	ssyncset.done $0x0  }
0xb0: {  	[sflag:s20] =	ssyncadd.s32 $0xFFFFE000  }
0xb1: {  	[tilespmem:s21], [sflag:$0x1] =	stream.indirect.gather [hbm4b:s4+s18], $0x80, s22, s18, $0xb8;
	[tilespmem:$0x1A800] =	vst v63  }
0xb2: {  	_ = 	snop  }
0xb3: {  	[spmem:s1] =	stream.indirect.scatter.add.f32 [tilespmem:s19], [sflag:$0x2], $0x80, s23, s18, $0xb8;
	[tilespmem:$0x1A800] =	vst v63  }
0xb4: {  	_ =	swait.ge [sflag:s16], $0x2000  }
0xb5: {  	[sflag:s16] =	ssyncset.done $0x0  }
0xb6: {  	[sflag:s16] =	ssyncadd.s32 $0xFFFFE000  }
0xb7: {  	_ =	swait.ge [sflag:s20], $0x2000  }
0xb8: {  	[sflag:s20] =	ssyncset.done $0x0  }
0xb9: {  	[sflag:s20] =	ssyncadd.s32 $0xFFFFE000  }
0xba: {  	[tilespmem:s19], [sflag:$0x1] =	stream.indirect.gather [hbm4b:s4+s18], $0x80, s22, s18, $0xb8;
	[tilespmem:$0x1A800] =	vst v63  }
0xbb: {  	s30 =	sadd.s32 $0x1, s30  }
0xbc: {  	[spmem:s1] =	stream.indirect.scatter.add.f32 [tilespmem:s21], [sflag:$0x2], $0x80, s24, s18, $0xb8;
	[tilespmem:$0x1A800] =	vst v63  }
0xbd: {  	p0 =	sne.s32 s30, $0x4;
	_ =	swait.ge [sflag:s16], $0x2000  }
.Ltmp5:
0xbe: {  	[sflag:s16] =	ssyncset.done $0x0;
	(pc) =	sbr.rel @p0 .LBB2_10-.Ltmp5, $4  }
0xbf: {  	[sflag:s16] =	ssyncadd.s32 $0xFFFFE000  }
0xc0: {  	_ =	swait.ge [sflag:s20], $0x2000  }
0xc1: {  	[sflag:s20] =	ssyncset.done $0x0  }
0xc2: {  	[sflag:s20] =	ssyncadd.s32 $0xFFFFE000  }
0xc3: {  	[bflag:$0x0] =	sbarrier.arrive $0xFFFF;
	s25 =	sadd.s32 $0x1, s25  }
0xc4: {  	[hbm:s13], [sflag:s26] =	dma.local [spmem:s28], $0x2780  }
0xc5: {  	p0 =	sne.s32 s25, s14  }
.Ltmp6:
0xc6: {  	_ =	swait.ge [sflag:s16], $0x2780;
	(pc) =	sbr.rel @p0 .LBB2_1-.Ltmp6, $3  }
0xc7: {  	[sflag:s16] =	ssyncset.done $0x0  }
0xc8: {  	[sflag:s16] =	ssyncadd.s32 $0xFFFFD880  }
0xc9: {  	[bflag:$0x0] =	sbarrier.arrive $0xFFFF;
	_ =	sdelay $0x1  }
0xca: {  	_ =	sfence.sel $0x180000  }
0xcb: {  	[bflag:$0x0] =	sbarrier.arrive $0xFFFF  }
0xcc: {  	_ =	strace $0x9000004D  }
0xcd: {  	[bflag:$0x2] =	sbarrier.arrive $0xFFFF  }
0xce: {  	p0 =	sne.s32 s2, $0x0;
	s0 =	rddreg [dreg:$0x2]  }
0xcf: {  	s0 =	sadd.s32 @!p0 $0x100000, s0  }
0xd0: {  	[sflag:s0] =	ssyncadd.tile.s32 @!p0 $0x1;
	_ =	shalt  }
.Lfunc_end2:
_tile_overlayer_lowered:
.L_overlay_start_2:
0xd1: {  	(tag) =	ssettag $0x2  }
0xd2: {  	s0 =	rddreg [dreg:$0x0];
	s2 =	stileid.u32  }
0xd3: {  	s1 =	rddreg [dreg:$0x1];
	p0 =	sne.s32 s2, $0x0  }
0xd4: {  	s3 =	rddreg [dreg:$0x2];
	[bflag:$0x3] =	sbarrier.arrive $0xFFFF;
	s2 =	simm.s32 @!p0 $0x1C02  }
0xd5: {  	[timem:s3], [sflag:s2] =	dma.local @!p0 [hbm:s0], s1  }
0xd6: {  	s0 =	simm.s32 @!p0 $0x2  }
0xd7: {  	_ =	swait.ge @!p0 [sflag:s0], s1  }
0xd8: {  	s1 =	ssub.s32 @!p0 $0x0, s1;
	[sflag:s0] =	ssyncset.done @!p0 $0x0  }
0xd9: {  	[sflag:s0] =	ssyncadd.s32 @!p0 s1  }
0xda: {  	[bflag:$0x3] =	sbarrier.arrive $0xFFFF  }
0xdb: {  	_ =	shalt  }

// kernel: kernel.7.cloned.1.call-start
scs
__scs_entry_jumppad:
0x0: {  	(pc) =	sbr.rel $0x88, $3  }
0x1: {  	(tag) =	ssettag $0x0;
	lr =	simm.s32 $0x1  }
0x2: {  	[smem:$0x3F99] =	sst lr;
	_ =	strace $0xD0000000  }
0x3: {  	_ = 	snop  }
0x4: {  	_ = 	snop  }
0x5: {  	_ = 	snop  }
0x6: {  	_ = 	snop  }
0x7: {  	_ = 	snop  }
__scs_overlays_trampoline_lowered:
0x8: {  	[smem:$0x3FA8] =	sst s0  }
0x9: {  	[smem:$0x3FA9] =	sst s1  }
0xa: {  	[smem:$0x3FAA] =	sst s2  }
0xb: {  	[smem:$0x3FAB] =	sst s3  }
0xc: {  	[smem:$0x3FAC] =	sst s4  }
0xd: {  	[smem:$0x3FAD] =	sst s5  }
0xe: {  	[smem:$0x3FAE] =	sst s6  }
0xf: {  	[smem:$0x3FAF] =	sst s7  }
0x10: {  	[smem:$0x3FB0] =	sst s8  }
0x11: {  	[smem:$0x3FB1] =	sst s9;
	s0 =	simm.s32 @!p0 $0x0  }
0x12: {  	s1 =	sld [smem:$0x3F97];
	s0 =	simm.s32 @p0 $0x1  }
0x13: {  	[smem:$0x3FB2] =	sst s0;
	s0 =	simm.s32 @!p1 $0x0  }
0x14: {  	s2 =	sld [smem:$0x3F96];
	s0 =	simm.s32 @p1 $0x1  }
0x15: {  	[smem:$0x3FB3] =	sst s0;
	s0 =	simm.s32 @!p2 $0x0  }
0x16: {  	s3 =	sld [smem:$0x3FDB];
	s0 =	simm.s32 @p2 $0x1  }
0x17: {  	s4 =	simm.s32 $0x1BF5;
	[smem:$0x3FB5] =	sst s0  }
0x18: {  	s0 =	sld [smem:$0x3F98];
	_ =	swait.ge [sflag:s4], $0x0  }
0x19: {  	s7 =	sld [smem:$0x3F99]  }
0x1a: {  	s8 =	sadd.s32 $0xFFFFE003, lr  }
0x1b: {  	s9 =	sadd.s32 $0xFFFFFEF7, lr;
	s5 =	simm.s32 $0xFFFFFFFF;
	p2 =	slt.u32 s8, $0xFFFFF086  }
0x1c: {  	p1 =	slt.u32 s9, $0xF7A;
	s5 =	simm.s32 @!p2 $0x0  }
0x1d: {  	s5 =	simm.s32 @p1 $0x1;
	p0 =	seq.s32 s7, s2  }
0x1e: {  	s7 =	smul.u32 @!p0 $0xF7A, s2;
	p2 =	seq.s32 @!p0 s5, $0x0  }
0x1f: {  	s9 =	smul.u32 $0xF7A, s1;
	s8 =	simm.s32 @!p0 $0x1BF5;
	p2 =	por !p2, p0  }
0x20: {  	[sflag:s8] =	ssyncset.s32 @!p0 $0xFFFFF086;
	s6 =	sadd.s32 @!p0 s3, s7;
	s7 =	simm.s32 @!p0 $0x108  }
0x21: {  	s3 =	sadd.s32 s3, s9;
	s6 =	sadd.s32 @!p0 $0x88, s6;
	s7 =	simm.s32 @p2 $0x1082  }
0x22: {  	[simem:s7], [sflag:s8] =	dma.local @!p0 [hbm:s6], $0xF7A  }
0x23: {  	s9 =	sor.u32 $0xD0000000, s2;
	s6 =	simm.s32 $0x108;
	_ =	swait.ge @!p0 [sflag:s8], $0x0  }
0x24: {  	s3 =	sadd.s32 $0x88, s3;
	s6 =	simm.s32 @!p1 $0x1082;
	[sflag:s4] =	ssyncset.s32 $0xFFFFF086  }
0x25: {  	[simem:s6], [sflag:s4] =	dma.local [hbm:s3], $0xF7A  }
0x26: {  	[smem:$0x3F99] =	sst s1;
	(tag) =	ssettag s2;
	_ =	strace s9  }
0x27: {  	s1 =	sld [smem:$0x3FA9]  }
0x28: {  	s2 =	sld [smem:$0x3FAA]  }
0x29: {  	s4 =	sld [smem:$0x3FAC]  }
0x2a: {  	p0 =	seq.s32 s5, $0x0;
	s5 =	sld [smem:$0x3FAD]  }
0x2b: {  	s6 =	sld [smem:$0x3FAE]  }
0x2c: {  	s7 =	sld [smem:$0x3FAF]  }
0x2d: {  	s3 =	simm.s32 $0x108;
	s8 =	sld [smem:$0x3FB0]  }
0x2e: {  	s3 =	simm.s32 @!p0 $0x1082;
	s9 =	sld [smem:$0x3FB1]  }
0x2f: {  	lr =	sadd.s32 s0, s3;
	s0 =	sld [smem:$0x3FA8]  }
0x30: {  	s3 =	sld [smem:$0x3FAB]  }
0x31: {  	[smem:$0x3FB4] =	sst s10  }
0x32: {  	s10 =	sld [smem:$0x3FB2];
	_ =	sdelay $0x3  }
0x33: {  	p0 =	seq.s32 s10, $0x1;
	s10 =	sld [smem:$0x3FB4];
	_ =	sdelay $0x3  }
0x34: {  	[smem:$0x3FB4] =	sst s10  }
0x35: {  	s10 =	sld [smem:$0x3FB3];
	_ =	sdelay $0x3  }
0x36: {  	p1 =	seq.s32 s10, $0x1;
	s10 =	sld [smem:$0x3FB4];
	_ =	sdelay $0x3  }
0x37: {  	[smem:$0x3FB4] =	sst s10  }
0x38: {  	s10 =	sld [smem:$0x3FB5]  }
0x39: {  	_ = 	snop;
	(pc) =	sbr.ind lr, $3  }
0x3a: {  	_ = 	snop  }
0x3b: {  	_ = 	snop  }
0x3c: {  	p2 =	seq.s32 s10, $0x1;
	s10 =	sld [smem:$0x3FB4]  }
0x3d: {  	_ =	shalt  }
0x3e: {  	_ =	shalt  }
0x3f: {  	_ =	shalt  }
0x40: {  	_ =	shalt  }
0x41: {  	_ =	shalt  }
0x42: {  	_ =	shalt  }
0x43: {  	_ =	shalt  }
0x44: {  	_ =	shalt  }
0x45: {  	_ =	shalt  }
0x46: {  	_ =	shalt  }
0x47: {  	_ =	shalt  }
0x48: {  	_ =	shalt  }
0x49: {  	_ =	shalt  }
0x4a: {  	_ =	shalt  }
0x4b: {  	_ =	shalt  }
0x4c: {  	_ =	shalt  }
0x4d: {  	_ =	shalt  }
0x4e: {  	_ =	shalt  }
0x4f: {  	_ =	shalt  }
0x50: {  	_ =	shalt  }
0x51: {  	_ =	shalt  }
0x52: {  	_ =	shalt  }
0x53: {  	_ =	shalt  }
0x54: {  	_ =	shalt  }
0x55: {  	_ =	shalt  }
0x56: {  	_ =	shalt  }
0x57: {  	_ =	shalt  }
0x58: {  	_ =	shalt  }
0x59: {  	_ =	shalt  }
0x5a: {  	_ =	shalt  }
0x5b: {  	_ =	shalt  }
0x5c: {  	_ =	shalt  }
0x5d: {  	_ =	shalt  }
0x5e: {  	_ =	shalt  }
0x5f: {  	_ =	shalt  }
0x60: {  	_ =	shalt  }
0x61: {  	_ =	shalt  }
0x62: {  	_ =	shalt  }
0x63: {  	_ =	shalt  }
0x64: {  	_ =	shalt  }
0x65: {  	_ =	shalt  }
0x66: {  	_ =	shalt  }
0x67: {  	_ =	shalt  }
0x68: {  	_ =	shalt  }
0x69: {  	_ =	shalt  }
0x6a: {  	_ =	shalt  }
0x6b: {  	_ =	shalt  }
0x6c: {  	_ =	shalt  }
0x6d: {  	_ =	shalt  }
0x6e: {  	_ =	shalt  }
0x6f: {  	_ =	shalt  }
0x70: {  	_ =	shalt  }
0x71: {  	_ =	shalt  }
0x72: {  	_ =	shalt  }
0x73: {  	_ =	shalt  }
0x74: {  	_ =	shalt  }
0x75: {  	_ =	shalt  }
0x76: {  	_ =	shalt  }
0x77: {  	_ =	shalt  }
0x78: {  	_ =	shalt  }
0x79: {  	_ =	shalt  }
0x7a: {  	_ =	shalt  }
0x7b: {  	_ =	shalt  }
0x7c: {  	_ =	shalt  }
0x7d: {  	_ =	shalt  }
0x7e: {  	_ =	shalt  }
0x7f: {  	_ =	shalt  }
0x80: {  	_ =	shalt  }
0x81: {  	_ =	shalt  }
0x82: {  	_ =	shalt  }
0x83: {  	_ =	shalt  }
0x84: {  	_ =	shalt  }
0x85: {  	_ =	shalt  }
0x86: {  	_ =	shalt  }
0x87: {  	_ =	shalt  }
.Lfunc_end0:
.L_simem_size_0:
called_computation_lowered:
.L_overlay_start_0:
0x88: {  	s2 =	sld [smem:$0x3FD9]  }
0x89: {  	s3 =	sld [smem:$0x3FFE];
	_ =	sdelay $0x1  }
0x8a: {  	s1 =	srdreg.scid  }
0x8b: {  	s0 =	sand.u32 $0x1, s1  }
0x8c: {  	s15 =	sshll.u32 s0, $0xA;
	s2 =	sadd.s32 s3, s2  }
0x8d: {  	s2 =	sadd.s32 s2, s15  }
0x8e: {  	[smem:$0x3FC0] =	sst s2  }
0x8f: {  	_ = 	snop  }
0x90: {  	s2 =	sld [smem:$0x3FD0];
	_ =	sdelay $0x2  }
0x91: {  	s16 =	simm.s32 $0xB;
	s4 =	simm.s32 $0x10  }
0x92: {  	[smem:s4], [sflag:s16] =	dma.local [hbm:s2], $0x1  }
0x93: {  	_ =	swait.eq [sflag:s16], $0x1  }
0x94: {  	[sflag:s16] =	ssyncset.done $0x0  }
0x95: {  	[sflag:s16] =	ssyncadd.s32 $0xFFFFFFFF  }
0x96: {  	s17 =	sld [smem:$0x10];
	(tm) =	ssettm $0x1  }
0x97: {  	s18 =	sld [smem:$0x3FFB];
	_ =	sdelay $0x3  }
0x98: {  	_ =	strace s18  }
0x99: {  	s2 =	sld [smem:$0x3FFC];
	_ =	sdelay $0x3  }
0x9a: {  	_ =	strace s2  }
0x9b: {  	s2 =	sld [smem:$0x3FFD];
	_ =	sdelay $0x3  }
0x9c: {  	_ =	strace s2  }
0x9d: {  	_ =	strace $0x8FFFFFFF  }
0x9e: {  	s19 =	sld [smem:$0x3FDB];
	_ =	sdelay $0x1  }
0x9f: {  	s20 =	simm.s32 $_scs_section_size  }
0xa0: {  	s5 =	simm.s32 $_size__tile_overlayer_lowered;
	s6 =	simm.s32 $_tile_overlayer_lowered  }
0xa1: {  	s7 =	simm.s32 $0x1BFF;
	s21 =	sshll.u32 s6, $0x1;
	s4 =	sadd.s32 s20, s19  }
0xa2: {  	s22 =	simm.s32 $0x0;
	s5 =	sshll.u32 s5, $0x1;
	s6 =	sadd.s32 s21, s4  }
0xa3: {  	[timem:s22], [sflag:s7] =	dma.local [hbm:s6], s5  }
0xa4: {  	_ =	swait.ge [sflag:s7], s5  }
0xa5: {  	s5 =	ssub.s32 $0x0, s5;
	[sflag:s7] =	ssyncset.done $0x0  }
0xa6: {  	[sflag:s7] =	ssyncadd.s32 s5;
	_ =	sdelay $0x1  }
0xa7: {  	s23 =	simm.s32 $0x1B8B  }
0xa8: {  	_ =	swait.ge [sflag:s23], $0x1  }
0xa9: {  	[sflag:s23] =	ssyncset.done $0x0  }
0xaa: {  	[sflag:s23] =	ssyncadd.s32 $0xFFFFFFFF  }
0xab: {  	s5 =	sld [smem:$0x0]  }
0xac: {  	s6 =	sand.u32 $0xFFFFFFFE, s1  }
0xad: {  	p0 =	sne.s32 s1, s6  }
0xae: {  	s6 =	sshll.u32 @p0 s6, $0xE  }
0xaf: {  	s6 =	sadd.s32 @p0 $0x11B8D, s6;
	s7 =	sshll.u32 @p0 s5, $0x11  }
0xb0: {  	s6 =	sor.u32 @p0 s7, s6  }
0xb1: {  	[sflag:s6] =	ssyncadd.remote.s32 @p0 $0x1;
	_ =	sdelay $0x1  }
0xb2: {  	s6 =	simm.s32 @p0 $0x1B8D  }
0xb3: {  	_ =	swait.eq @p0 [sflag:s6], $0x1  }
0xb4: {  	[sflag:s6] =	ssyncadd.s32 @p0 $0xFFFFFFFF  }
0xb5: {  	s7 =	sshll.u32 @!p0 s1, $0xE  }
0xb6: {  	s7 =	sor.u32 @!p0 $0x4000, s7;
	s6 =	simm.s32 @!p0 $0x1B8D  }
0xb7: {  	s5 =	sshll.u32 @!p0 s5, $0x11;
	s7 =	sadd.s32 @!p0 $0x11B8D, s7;
	_ =	swait.eq @!p0 [sflag:s6], $0x1  }
0xb8: {  	s5 =	sor.u32 @!p0 s5, s7;
	[sflag:s6] =	ssyncadd.s32 @!p0 $0xFFFFFFFF  }
0xb9: {  	s25 =	simm.s32 $0x1B8E;
	s24 =	sld [smem:$0x3FFE];
	[sflag:s5] =	ssyncadd.remote.s32 @!p0 $0x1  }
0xba: {  	s26 =	simm.s32 $execute0_lowered;
	[smem:$0x3FD2] =	sst s25  }
0xbb: {  	s6 =	sshll.u32 s26, $0x1;
	_ =	strace $0x80000049;
	[dreg:$0x1] =	wrdreg $0xFFFFFFFF  }
0xbc: {  	s28 =	simm.s32 $_size_execute0_lowered;
	s4 =	sadd.s32 s4, s6;
	[dreg:$0x0] =	wrdreg $0x0  }
0xbd: {  	s6 =	sshll.u32 s28, $0x1;
	[dreg:$0x2] =	wrdreg s4  }
0xbe: {  	[dreg:$0x3] =	wrdreg s6  }
0xbf: {  	[dreg:$0x4] =	wrdreg $0xC0  }
0xc0: {  	_ =	task [dreg:s22], $0x5FFFF  }
0xc1: {  	[dreg:$0x1] =	wrdreg $0xFFFFFFFF  }
0xc2: {  	[dreg:$0x0] =	wrdreg $0x60  }
0xc3: {  	[dreg:$0x2] =	wrdreg s24  }
0xc4: {  	[dreg:$0x3] =	wrdreg s17  }
0xc5: {  	[dreg:$0x4] =	wrdreg $0x6C000  }
0xc6: {  	[dreg:$0x5] =	wrdreg $0x9  }
0xc7: {  	_ =	task.clear_ibuf [dreg:s22], $0x6FFFF;
	_ =	strace $0x90000049  }
0xc8: {  	s29 =	simm.s32 $0x9;
	_ =	strace $0x8000004B  }
0xc9: {  	_ =	swait.ge [sflag:s29], $0x1  }
0xca: {  	[sflag:s29] =	ssyncadd.s32 $0xFFFFFFFF  }
0xcb: {  	_ =	strace $0x9000004B  }
0xcc: {  	_ =	sfence  }
0xcd: {  	s30 =	sld [smem:$0x0];
	_ =	sdelay $0x2  }
0xce: {  	s31 =	sshll.u32 s1, $0xD;
	s1 =	sshrl.u32 s1, $0x2  }
0xcf: {  	s4 =	sand.u32 $0x4000, s31;
	s1 =	sadd.s32 s1, s30  }
0xd0: {  	s0 =	sor.u32 s4, s0;
	s1 =	sshll.u32 s1, $0x11  }
0xd1: {  	s0 =	sor.u32 s1, s0  }
0xd2: {  	s0 =	sadd.s32 $0x8F2B, s0  }
0xd3: {  	[sflag:s0] =	ssyncadd.remote.s32 $0x1  }
0xd4: {  	_ =	sfence.sel $0xFFFF  }
0xd5: {  	[dreg:$0x0] =	wrdreg $0xFFFFFFFF;
	(pc) =	sbr.abs _section_cstart, $3  }
0xd6: {  	[dreg:$0x1] =	wrdreg $0xFFFFFFFF  }
0xd7: {  	_ =	task.clear_ibuf [dreg:s22], $0x2FFFF;
	_ =	strace $0x9FFFFFFF  }
0xd8: {  	(tm) =	ssettm $0x7FFFFFFF  }
0xd9: {  	_ =	shalt  }
tec
execute0_lowered:
.L_overlay_start_1:
0x0: {  	(tag) =	ssettag $0x1  }
0x1: {  	s7 =	rddreg [dreg:$0x0]  }
0x2: {  	s11 =	rddreg [dreg:$0x1]  }
0x3: {  	s2 =	rddreg [dreg:$0x2]  }
0x4: {  	s0 =	rddreg [dreg:$0x3]  }
0x5: {  	s3 =	simm.s32 $0x0;
	s4 =	srdreg.scid;
	s1 =	stileid.u32  }
0x6: {  	s16 =	simm.s32 $0x40;
	s17 =	simm.s32 $0x2800;
	s18 =	simm.s32 $0x1  }
0x7: {  	s19 =	simm.s32 $0x4800;
	s20 =	simm.s32 $0x1380;
	s21 =	simm.s32 $0x2700  }
0x8: {  	s22 =	simm.s32 $0x2780;
	s25 =	simm.s32 $0x0;
	[smem:$0x7FF] =	sst s3  }
0x9: {  	s8 =	sand.u32 $0x1, s4;
	s9 =	smul.u32 $0x4F000, s1;
	s4 =	sadd.s32 $0x5CA00, s7  }
0xa: {  	s5 =	sadd.s32 $0xAAC00, s7;
	s6 =	sadd.s32 $0x3400, s7;
	s12 =	smul.u32 $0x13C00, s1  }
0xb: {  	s7 =	sadd.s32 $0xD400, s7;
	s23 =	sshll.u32 s1, $0x6;
	s10 =	smul.u32 $0x13C000, s8  }
0xc: {  	_ =	strace $0x8000004A;
	s13 =	ssub.s32 $0x2, s8;
	s14 =	smul.u32 $0x50000, s8  }
0xd: {  	s8 =	smul.u32 $0x5000, s1;
	s23 =	sor.u32 $0x1C02, s23;
	s15 =	sshrl.u32 s13, $0x1  }
0xe: {  	s9 =	sshrl.u32 s9, $0x2;
	s10 =	sadd.s32 s12, s10;
	s30 =	ssub.s32 s13, s15  }
0xf: {  	s9 =	sadd.s32 s9, s2;
	s13 =	simm.s32 $0x6800;
	s15 =	simm.s32 $0x1400  }
0x10: {  	s31 =	sshrl.u32 s10, $0x3;
	s10 =	sadd.s32 s14, s8;
	s12 =	smax.u32 s30, $0x1  }
0x11: {  	s14 =	simm.s32 $0x2;
	s24 =	sshrl.u32 s9, $0x3;
	s11 =	sadd.s32 s11, s31  }
.LBB2_1:
0x12: {  	[tilespmem:s13], [sflag:$0x2] =	stream.linear.gather [hbm4b:s7+s3], $0x400, $0x38;
	[tilespmem:$0x1A800] =	vst v63  }
0x13: {  	_ =	swait.ge [sflag:s14], $0x400  }
0x14: {  	[sflag:s14] =	ssyncset.done $0x0  }
0x15: {  	s26 =	sadd.s32 $0x0, s9;
	[sflag:s14] =	ssyncadd.s32 $0xFFFFFC00  }
0x16: {  	[spmem:s26] =	stream.linear.scatter [tilespmem:s13], [sflag:$0x2], $0x400, $0x38;
	[tilespmem:$0x1A800] =	vst v63  }
0x17: {  	s26 =	simm.s32 $0x1000;
	_ =	swait.ge [sflag:s14], $0x400  }
.LBB2_2:
0x18: {  	s28 =	sshra.s32 s26, $0x2;
	[sflag:s14] =	ssyncset.done $0x0;
	p0 =	sne.s32 s26, $0x4E000  }
.Ltmp0:
0x19: {  	s28 =	sadd.s32 s28, s9;
	[sflag:s14] =	ssyncadd.s32 $0xFFFFFC00;
	(pc) =	sbr.rel @p0 .LBB2_2-.Ltmp0, $3  }
0x1a: {  	[spmem:s28] =	stream.linear.scatter [tilespmem:s13], [sflag:$0x2], $0x400, $0x38;
	[tilespmem:$0x1A800] =	vst v63  }
0x1b: {  	s26 =	sadd.s32 $0x1000, s26;
	_ =	sdelay $0x1  }
0x1c: {  	_ =	swait.ge [sflag:s14], $0x400  }
0x1d: {  	[sflag:s14] =	ssyncset.done $0x0  }
0x1e: {  	[sflag:s14] =	ssyncadd.s32 $0xFFFFFC00  }
0x1f: {  	s26 =	simm.s32 $0x0;
	s28 =	simm.s32 $0x0;
	[bflag:$0x0] =	sbarrier.arrive $0xFFFF  }
.LBB2_4:
0x20: {  	s29 =	smul.u32 $0x1400, s28;
	_ =	sdelay $0x1  }
0x21: {  	s30 =	sadd.s32 s10, s29  }
0x22: {  	s30 =	sshrl.u32 s30, $0x3  }
0x23: {  	s30 =	sadd.s32 s5, s30  }
0x24: {  	[tilespmem:s26], [sflag:$0x2] =	stream.linear.gather [hbm4b:s30+s26], $0x1400, $0x38;
	[tilespmem:$0x1A800] =	vst v63  }
0x25: {  	s29 =	sadd.s32 s8, s29;
	_ =	swait.ge [sflag:s14], $0x1400  }
0x26: {  	s29 =	sshrl.u32 s29, $0x3;
	[sflag:s14] =	ssyncset.done $0x0  }
0x27: {  	s29 =	sadd.s32 s6, s29;
	[sflag:s14] =	ssyncadd.s32 $0xFFFFEC00  }
0x28: {  	[tilespmem:s15], [sflag:$0x2] =	stream.linear.gather [hbm4b:s29+s26], $0x1400, $0x38;
	[tilespmem:$0x1A800] =	vst v63  }
0x29: {  	_ =	swait.ge [sflag:s14], $0x1400  }
0x2a: {  	[sflag:s14] =	ssyncset.done $0x0  }
0x2b: {  	[sflag:s14] =	ssyncadd.s32 $0xFFFFEC00  }
0x2c: {  	[tilespmem:s17], [sflag:$0x1] =	stream.indirect.gather [hbm4b:s4+s16], $0x80, s26, s16, $0xb8;
	[tilespmem:$0x1A800] =	vst v63  }
0x2d: {  	_ =	swait.ge [sflag:s18], $0x2000  }
0x2e: {  	[sflag:s18] =	ssyncset.done $0x0  }
0x2f: {  	s29 =	simm.s32 $0x80;
	[sflag:s18] =	ssyncadd.s32 $0xFFFFE000  }
0x30: {  	[tilespmem:s19], [sflag:$0x1] =	stream.indirect.gather [hbm4b:s4+s16], $0x80, s29, s16, $0xb8;
	[tilespmem:$0x1A800] =	vst v63  }
0x31: {  	s29 =	simm.s32 $0x1400  }
0x32: {  	[spmem:s2] =	stream.indirect.scatter.add.f32 [tilespmem:s17], [sflag:$0x2], $0x80, s29, s16, $0xb8;
	[tilespmem:$0x1A800] =	vst v63  }
0x33: {  	_ =	swait.ge [sflag:s14], $0x2000  }
0x34: {  	[sflag:s14] =	ssyncset.done $0x0  }
0x35: {  	[sflag:s14] =	ssyncadd.s32 $0xFFFFE000  }
0x36: {  	_ =	swait.ge [sflag:s18], $0x2000  }
0x37: {  	[sflag:s18] =	ssyncset.done $0x0  }
0x38: {  	s29 =	simm.s32 $0x100;
	[sflag:s18] =	ssyncadd.s32 $0xFFFFE000  }
0x39: {  	[tilespmem:s17], [sflag:$0x1] =	stream.indirect.gather [hbm4b:s4+s16], $0x80, s29, s16, $0xb8;
	[tilespmem:$0x1A800] =	vst v63  }
0x3a: {  	s29 =	simm.s32 $0x1480  }
0x3b: {  	[spmem:s2] =	stream.indirect.scatter.add.f32 [tilespmem:s19], [sflag:$0x2], $0x80, s29, s16, $0xb8;
	[tilespmem:$0x1A800] =	vst v63  }
0x3c: {  	_ =	swait.ge [sflag:s14], $0x2000  }
0x3d: {  	s29 =	simm.s32 $0x400;
	[sflag:s14] =	ssyncset.done $0x0  }
.LBB2_5:
0x3e: {  	p0 =	sne.s32 s29, $0x4800  }
0x3f: {  	[sflag:s14] =	ssyncadd.s32 $0xFFFFE000;
	s30 =	smov.u32 s29;
	s29 =	sadd.s32 $0x400, s29  }
0x40: {  	_ = 	snop  }
0x41: {  	_ =	swait.ge [sflag:s18], $0x2000  }
0x42: {  	s30 =	sshra.s32 s30, $0x2;
	[sflag:s18] =	ssyncset.done $0x0  }
0x43: {  	s31 =	sadd.s32 $0x80, s30;
	[sflag:s18] =	ssyncadd.s32 $0xFFFFE000  }
0x44: {  	[tilespmem:s19], [sflag:$0x1] =	stream.indirect.gather [hbm4b:s4+s16], $0x80, s31, s16, $0xb8;
	[tilespmem:$0x1A800] =	vst v63  }
0x45: {  	s31 =	sadd.s32 $0x1400, s30  }
0x46: {  	[spmem:s2] =	stream.indirect.scatter.add.f32 [tilespmem:s17], [sflag:$0x2], $0x80, s31, s16, $0xb8;
	[tilespmem:$0x1A800] =	vst v63  }
0x47: {  	_ =	swait.ge [sflag:s14], $0x2000  }
0x48: {  	[sflag:s14] =	ssyncset.done $0x0  }
0x49: {  	[sflag:s14] =	ssyncadd.s32 $0xFFFFE000  }
0x4a: {  	_ =	swait.ge [sflag:s18], $0x2000  }
0x4b: {  	[sflag:s18] =	ssyncset.done $0x0  }
0x4c: {  	s31 =	sadd.s32 $0x100, s30;
	[sflag:s18] =	ssyncadd.s32 $0xFFFFE000  }
0x4d: {  	[tilespmem:s17], [sflag:$0x1] =	stream.indirect.gather [hbm4b:s4+s16], $0x80, s31, s16, $0xb8;
	[tilespmem:$0x1A800] =	vst v63  }
.Ltmp1:
0x4e: {  	_ = 	snop;
	(pc) =	sbr.rel @p0 .LBB2_5-.Ltmp1, $4  }
0x4f: {  	s30 =	sadd.s32 $0x1480, s30  }
0x50: {  	[spmem:s2] =	stream.indirect.scatter.add.f32 [tilespmem:s19], [sflag:$0x2], $0x80, s30, s16, $0xb8;
	[tilespmem:$0x1A800] =	vst v63  }
0x51: {  	_ =	swait.ge [sflag:s14], $0x2000  }
0x52: {  	[sflag:s14] =	ssyncset.done $0x0  }
0x53: {  	[sflag:s14] =	ssyncadd.s32 $0xFFFFE000  }
0x54: {  	_ =	swait.ge [sflag:s18], $0x2000  }
0x55: {  	[sflag:s18] =	ssyncset.done $0x0  }
0x56: {  	[sflag:s18] =	ssyncadd.s32 $0xFFFFE000  }
0x57: {  	[tilespmem:s19], [sflag:$0x1] =	stream.indirect.gather [hbm4b:s4+s16], $0x80, s20, s16, $0xb8;
	[tilespmem:$0x1A800] =	vst v63  }
0x58: {  	_ = 	snop  }
0x59: {  	[spmem:s2] =	stream.indirect.scatter.add.f32 [tilespmem:s17], [sflag:$0x2], $0x80, s21, s16, $0xb8;
	[tilespmem:$0x1A800] =	vst v63  }
0x5a: {  	_ =	swait.ge [sflag:s14], $0x2000  }
0x5b: {  	[sflag:s14] =	ssyncset.done $0x0  }
0x5c: {  	[sflag:s14] =	ssyncadd.s32 $0xFFFFE000  }
0x5d: {  	_ =	swait.ge [sflag:s18], $0x2000  }
0x5e: {  	[sflag:s18] =	ssyncset.done $0x0  }
0x5f: {  	[sflag:s18] =	ssyncadd.s32 $0xFFFFE000  }
0x60: {  	[tilespmem:s17], [sflag:$0x1] =	stream.indirect.gather [hbm4b:s4+s16], $0x80, s20, s16, $0xb8;
	[tilespmem:$0x1A800] =	vst v63  }
0x61: {  	s28 =	sadd.s32 $0x1, s28  }
0x62: {  	[spmem:s2] =	stream.indirect.scatter.add.f32 [tilespmem:s19], [sflag:$0x2], $0x80, s22, s16, $0xb8;
	[tilespmem:$0x1A800] =	vst v63  }
0x63: {  	p0 =	sne.s32 s28, $0x4;
	_ =	swait.ge [sflag:s14], $0x2000  }
.Ltmp2:
0x64: {  	[sflag:s14] =	ssyncset.done $0x0;
	(pc) =	sbr.rel @p0 .LBB2_4-.Ltmp2, $4  }
0x65: {  	[sflag:s14] =	ssyncadd.s32 $0xFFFFE000  }
0x66: {  	_ =	swait.ge [sflag:s18], $0x2000  }
0x67: {  	[sflag:s18] =	ssyncset.done $0x0  }
0x68: {  	[sflag:s18] =	ssyncadd.s32 $0xFFFFE000  }
0x69: {  	[bflag:$0x0] =	sbarrier.arrive $0xFFFF;
	s25 =	sadd.s32 $0x1, s25  }
0x6a: {  	[hbm:s11], [sflag:s23] =	dma.local [spmem:s24], $0x2780  }
0x6b: {  	p0 =	sne.s32 s25, s12  }
.Ltmp3:
0x6c: {  	_ =	swait.ge [sflag:s14], $0x2780;
	(pc) =	sbr.rel @p0 .LBB2_1-.Ltmp3, $3  }
0x6d: {  	[sflag:s14] =	ssyncset.done $0x0  }
0x6e: {  	[sflag:s14] =	ssyncadd.s32 $0xFFFFD880  }
0x6f: {  	[bflag:$0x0] =	sbarrier.arrive $0xFFFF;
	_ =	sdelay $0x1  }
0x70: {  	_ =	sfence.sel $0x180000  }
0x71: {  	[bflag:$0x0] =	sbarrier.arrive $0xFFFF  }
0x72: {  	p0 =	sne.s32 s1, $0x0;
	_ =	strace $0x9000004A  }
0x73: {  	s0 =	sadd.s32 @!p0 $0x100000, s0;
	[bflag:$0x2] =	sbarrier.arrive $0xFFFF  }
0x74: {  	[sflag:s0] =	ssyncadd.tile.s32 @!p0 $0x1;
	_ =	shalt  }
.Lfunc_end2:
_tile_overlayer_lowered:
.L_overlay_start_2:
0x75: {  	(tag) =	ssettag $0x2  }
0x76: {  	s0 =	rddreg [dreg:$0x0];
	s2 =	stileid.u32  }
0x77: {  	s1 =	rddreg [dreg:$0x1];
	p0 =	sne.s32 s2, $0x0  }
0x78: {  	s3 =	rddreg [dreg:$0x2];
	[bflag:$0x3] =	sbarrier.arrive $0xFFFF;
	s2 =	simm.s32 @!p0 $0x1C02  }
0x79: {  	[timem:s3], [sflag:s2] =	dma.local @!p0 [hbm:s0], s1  }
0x7a: {  	s0 =	simm.s32 @!p0 $0x2  }
0x7b: {  	_ =	swait.ge @!p0 [sflag:s0], s1  }
0x7c: {  	s1 =	ssub.s32 @!p0 $0x0, s1;
	[sflag:s0] =	ssyncset.done @!p0 $0x0  }
0x7d: {  	[sflag:s0] =	ssyncadd.s32 @!p0 s1  }
0x7e: {  	[bflag:$0x3] =	sbarrier.arrive $0xFFFF  }
0x7f: {  	_ =	shalt  }

</sc_bundles>
